<compile_context>
chip_gen: v7x
topology: tpu7x:2x2x1
jax: 0.10.2.dev20260603
libtpu: 0.0.44.dev20260713+nightly
codegen_flags: <defaults>
</compile_context>

<pallas_src>
import functools
import math

import jax
import jax.numpy as jnp
from jax import lax
from jax.experimental import pallas as pl
from jax.experimental.pallas import tpu as pltpu
from jax.experimental.pallas import tpu_sc as plsc

_SINK_SIZE = 16
_SLIDING_WINDOW = 4080
_NUM_KV_HEADS = 8
_HEAD_SIZE = 128
_BLOCK_SIZE = 16
_X = 8
_NUM_BLOCKS = 2048
_BATCH = 64
_ROPE_BASE = 10000.0

_CACHE_SIZE = float(_SLIDING_WINDOW + _SINK_SIZE)
_ROW = _NUM_KV_HEADS * (_HEAD_SIZE // _X) * _BLOCK_SIZE * _X
_HALF = _HEAD_SIZE // 2
_NC = 2
_NS = 16
_NW = _NC * _NS
_SLOTS_PER_W = _BATCH // _NW


def _tables_body(btc_ref, btr_ref, posr_ref, cos_ref, sin_ref, enc_ref):
    btc = btc_ref[...]
    btr = btr_ref[...]
    posr = posr_ref[...]

    eq = btc == btr
    jidx = lax.broadcasted_iota(jnp.int32, (_BATCH, _BATCH), 1)
    firstj = jnp.min(jnp.where(eq, jidx, _BATCH), axis=1, keepdims=True)
    iidx = lax.broadcasted_iota(jnp.int32, (_BATCH, 1), 0)
    is_first = firstj == iidx

    theta = jnp.maximum(posr.astype(jnp.float32) - _CACHE_SIZE, 0.0)
    angle = jnp.sum(
        jnp.where(eq, jnp.broadcast_to(theta, (_BATCH, _BATCH)), 0.0),
        axis=1, keepdims=True)

    lane = lax.broadcasted_iota(jnp.int32, (_BATCH, _HEAD_SIZE), 1)
    f = (lane // 16) * 8 + (lane % 16) % 8
    inv_freq = jnp.exp(
        f.astype(jnp.float32) * (-2.0 * math.log(_ROPE_BASE) / _HEAD_SIZE))
    ang = angle * inv_freq
    cos_ref[...] = jnp.cos(ang)
    sin_ref[...] = jnp.sin(ang)

    proc = jnp.logical_and(is_first, angle > 0.0)
    enc = jnp.where(proc, btc, -1)
    enc_ref[...] = jnp.broadcast_to(enc, (_BATCH, 16))


def _make_tables(interpret=False):
    return pl.pallas_call(
        _tables_body,
        out_shape=(
            jax.ShapeDtypeStruct((_BATCH, _HEAD_SIZE), jnp.float32),
            jax.ShapeDtypeStruct((_BATCH, _HEAD_SIZE), jnp.float32),
            jax.ShapeDtypeStruct((_BATCH, 16), jnp.int32),
        ),
        interpret=interpret,
    )


def _sc_body(cache_ref, cos_hbm, sin_hbm, enc_hbm,
             row_v, cos_v, sin_v, enc_v, sem):
    cid = lax.axis_index("c")
    sid = lax.axis_index("s")
    wid = sid * _NC + cid
    for k in range(_SLOTS_PER_W):
        slot = wid * _SLOTS_PER_W + k
        pltpu.sync_copy(enc_hbm.at[pl.ds(slot, 1)], enc_v)
        blk = jnp.max(enc_v[0, :])

        @pl.when(blk >= 0)
        def _():
            pltpu.async_copy(cache_ref.at[pl.ds(blk, 1)], row_v, sem).wait()
            pltpu.sync_copy(cos_hbm.at[pl.ds(slot, 1)], cos_v)
            pltpu.sync_copy(sin_hbm.at[pl.ds(slot, 1)], sin_v)

            def body(hd, carry):
                h = hd // _X
                dx = hd - h * _X
                cbase = dx * 16
                off1 = (h * 16 + dx) * 128
                off2 = off1 + 1024
                c = cos_v[0, pl.ds(cbase, 16)]
                s = sin_v[0, pl.ds(cbase, 16)]
                for v in range(8):
                    o1 = off1 + v * 16
                    o2 = off2 + v * 16
                    k1 = row_v[0, pl.ds(o1, 16)]
                    k2 = row_v[0, pl.ds(o2, 16)]
                    row_v[0, pl.ds(o1, 16)] = k1 * c - k2 * s
                    row_v[0, pl.ds(o2, 16)] = k2 * c + k1 * s
                return carry

            lax.fori_loop(0, _NUM_KV_HEADS * _X, body, 0)
            pltpu.async_copy(row_v, cache_ref.at[pl.ds(blk, 1)], sem).wait()


def _make_sc_apply(interpret=False):
    mesh = plsc.VectorSubcoreMesh(
        core_axis_name="c", subcore_axis_name="s",
        num_cores=_NC, num_subcores=_NS)
    return pl.kernel(
        _sc_body,
        out_type=(),
        mesh=mesh,
        compiler_params=pltpu.CompilerParams(needs_layout_passes=False),
        scratch_types=[
            pltpu.VMEM((1, _ROW), jnp.float32),
            pltpu.VMEM((1, _HEAD_SIZE), jnp.float32),
            pltpu.VMEM((1, _HEAD_SIZE), jnp.float32),
            pltpu.VMEM((1, 16), jnp.int32),
            pltpu.SemaphoreType.DMA,
        ],
        interpret=interpret,
    )


def _kernel_impl(key_cache, block_tables, context_lens, positions,
                 interpret=False):
    del context_lens
    shape = key_cache.shape
    cache2 = key_cache.reshape(_NUM_BLOCKS, _ROW)
    btc = block_tables[:, :1]
    btr = btc.reshape(1, _BATCH)
    posr = positions.reshape(1, _BATCH)
    cos_t, sin_t, enc = _make_tables(interpret)(btc, btr, posr)
    cache_ref = jax.new_ref(cache2)
    _make_sc_apply(interpret)(cache_ref, cos_t, sin_t, enc)
    return cache_ref[...].reshape(shape)


def kernel(key_cache, block_tables, context_lens, positions):
    return _kernel_impl(key_cache, block_tables, context_lens, positions)

# --- scband reference (transcript-rebuilt; emitter-appended) ---
"""Pipeline reference for scband-sink-attention-rotary-impl-11759620456496 (READ-ONLY COPY).

The authoritative reference and input builder live on the scoring server;
editing this copy changes nothing except your own understanding.
"""

import jax, jax.numpy as jnp
import numpy as np

SINK_SIZE = 16
SLIDING_WINDOW = 4080
NUM_KV_HEADS = 8
HEAD_SIZE = 128
BLOCK_SIZE = 16
X = 8
NUM_BLOCKS = 2048
BATCH = 64
MAX_BLOCKS_PER_SEQ = 256
ROPE_BASE = 10000.0


def _rotary_key(positions, key_states):
    # vLLM neox-style rotary applied to keys. key_states: [T, H, D], positions: [T] int
    T, H, D = key_states.shape
    half = D // 2
    inv_freq = 1.0 / (ROPE_BASE ** (jnp.arange(0, half, dtype=jnp.float32) * 2.0 / D))
    freqs = positions.astype(jnp.float32)[:, None] * inv_freq[None, :]  # [T, half]
    cos = jnp.cos(freqs)[:, None, :]  # [T, 1, half]
    sin = jnp.sin(freqs)[:, None, :]
    k1 = key_states[..., :half]
    k2 = key_states[..., half:]
    return jnp.concatenate([k1 * cos - k2 * sin, k2 * cos + k1 * sin], axis=-1)


def setup_inputs(seed: int = 0):
    key = jax.random.key(seed)
    k1, k2, k3, k4 = jax.random.split(key, 4)
    key_cache = jax.random.normal(k1, (NUM_BLOCKS, NUM_KV_HEADS, HEAD_SIZE // X, BLOCK_SIZE, X), dtype=jnp.float32)
    block_tables = jax.random.randint(k2, (BATCH, MAX_BLOCKS_PER_SEQ), 0, NUM_BLOCKS, dtype=jnp.int32)
    context_lens = jax.random.randint(k3, (BATCH,), 0, 4096, dtype=jnp.int32)
    positions = jax.random.randint(k4, (BATCH,), 0, 16384, dtype=jnp.int32)
    return {"key_cache": key_cache, "block_tables": block_tables, "context_lens": context_lens, "positions": positions}


def reference(key_cache, block_tables, context_lens, positions):
    # process_decode_metadata: backup sink blocks, rotate sinks by num-evicted-tokens, scatter back into paged cache
    cache_size = float(SLIDING_WINDOW + SINK_SIZE)
    num_sinks_current = SINK_SIZE // BLOCK_SIZE  # sink_size // key_cache.shape[-2]
    B = block_tables.shape[0]
    for batch_i in range(B):
        # _backup_sink
        sink_blocks = block_tables[batch_i, :num_sinks_current]
        backup = key_cache[sink_blocks]  # [num_sinks, H, D/X, BS, X]
        # _calculate_evictions
        evict = jnp.maximum(positions[batch_i].astype(jnp.float32) - cache_size, 0.0)
        rotation_positions = (jnp.ones((SINK_SIZE,), dtype=jnp.float32) * evict).astype(jnp.int32)
        # _format_key_cache_to_rotation: permute(3,0,1,2,4).reshape(sink_size, -1)
        sink_to_rotate = jnp.transpose(backup, (3, 0, 1, 2, 4)).reshape(SINK_SIZE, -1)
        key_states = sink_to_rotate.reshape(SINK_SIZE, NUM_KV_HEADS, HEAD_SIZE)
        rotated = _rotary_key(rotation_positions, key_states).reshape(SINK_SIZE, -1)
        # view(a, b, c, d).permute(1, 2, 0, 3)
        f = rotated.reshape(SINK_SIZE, NUM_KV_HEADS, HEAD_SIZE // X, X)
        f = jnp.transpose(f, (1, 2, 0, 3))  # [H, D/X, BS, X]
        key_cache = key_cache.at[sink_blocks[0]].set(f)
    return key_cache

if __name__ == "__main__":
    import jax
    _d = setup_inputs()
    print(jax.jit(kernel)(*tuple(_d.values())))

</pallas_src>

<mosaic_0001>
#map = affine_map<(d0, d1) -> (0, 0)>
module attributes {stable_mosaic.version = 14 : i64} {
  func.func @new_body(%arg0: i32, %arg1: i32, %arg2: memref<2048x16384xf32, #tpu.memory_space<hbm>>, %arg3: memref<64x128xf32, #tpu.memory_space<hbm>>, %arg4: memref<64x128xf32, #tpu.memory_space<hbm>>, %arg5: memref<64x16xi32, #tpu.memory_space<hbm>>, %arg6: memref<2048x16384xf32, #tpu.memory_space<hbm>>, %arg7: memref<1x16384xf32, #tpu.memory_space<vmem>>, %arg8: memref<1x128xf32, #tpu.memory_space<vmem>>, %arg9: memref<1x128xf32, #tpu.memory_space<vmem>>, %arg10: memref<1x16xi32, #tpu.memory_space<vmem>>, %arg11: memref<!tpu.dma_semaphore, #tpu.memory_space<semaphore_mem>>) attributes {dimension_semantics = [#tpu.dimension_semantics<core_parallel>, #tpu.dimension_semantics<subcore_parallel>], iteration_bounds = array<i64: 2, 16>, scalar_prefetch = 0 : i64, scratch_operands = 5 : i64, tpu.core_type = #tpu.core_type<sc_vector_subcore>, window_params = [{transform_indices = #map}, {transform_indices = #map}, {transform_indices = #map}, {transform_indices = #map}, {transform_indices = #map}]} {
    %mul3A = arith.constant 2 : i32
    %mul3A_0 = arith.muli %arg1, %mul3A : i32
    %add3A = arith.addi %mul3A_0, %arg0 : i32
    %mul3A_1 = arith.constant 2 : i32
    %mul3A_2 = arith.muli %add3A, %mul3A_1 : i32
    %add3A_3 = arith.constant 0 : i32
    %add3A_4 = arith.addi %mul3A_2, %add3A_3 : i32
    "tpu.region"() ({
      %run_scoped3A = tpu.sem_alloc : memref<!tpu.dma_semaphore, #tpu.memory_space<semaphore_mem>>
      %dma_start3A = arith.constant 0 : i32
      %dma_start3A_38 = tpu.memref_slice %arg5[%add3A_4, %dma_start3A] : memref<64x16xi32, #tpu.memory_space<hbm>> -> memref<1x16xi32, #tpu.memory_space<hbm>>
      %dma_start3A_39 = arith.constant 0 : i32
      %dma_start3A_40 = tpu.memref_slice %arg5[%add3A_4, %dma_start3A_39] : memref<64x16xi32, #tpu.memory_space<hbm>> -> memref<1x16xi32, #tpu.memory_space<hbm>>
      tpu.enqueue_dma source(%dma_start3A_40 : memref<1x16xi32, #tpu.memory_space<hbm>>) target(%arg10 : memref<1x16xi32, #tpu.memory_space<vmem>>) target_semaphore(%run_scoped3A : memref<!tpu.dma_semaphore, #tpu.memory_space<semaphore_mem>>)
      %dma_wait3A = arith.constant 0 : i32
      %dma_wait3A_41 = tpu.memref_slice %arg5[%add3A_4, %dma_wait3A] : memref<64x16xi32, #tpu.memory_space<hbm>> -> memref<1x16xi32, #tpu.memory_space<hbm>>
      %dma_wait3A_42 = arith.constant 0 : i32
      %dma_wait3A_43 = tpu.memref_slice %arg5[%add3A_4, %dma_wait3A_42] : memref<64x16xi32, #tpu.memory_space<hbm>> -> memref<1x16xi32, #tpu.memory_space<hbm>>
      tpu.wait_dma2 semaphore(%run_scoped3A : memref<!tpu.dma_semaphore, #tpu.memory_space<semaphore_mem>>) src(%dma_wait3A_43 : memref<1x16xi32, #tpu.memory_space<hbm>>) dst(%arg10 : memref<1x16xi32, #tpu.memory_space<vmem>>)
      tpu.yield
    }) : () -> ()
    %get3A = arith.constant 0 : i32
    %get3A_5 = arith.index_cast %get3A : i32 to index
    %get3A_6 = arith.constant 0 : index
    %get3A_7 = tpu.vector_load %arg10[%get3A_5, %get3A_6] {strides = array<i32>} : memref<1x16xi32, #tpu.memory_space<vmem>>, vector<16xi32>,
    %reduce_max3A = arith.constant true
    %reduce_max3A_8 = vector.broadcast %reduce_max3A : i1 to vector<16xi1>
    %reduce_max3A_9 = arith.constant -2147483648 : i32
    %reduce_max3A_10 = vector.broadcast %reduce_max3A_9 : i32 to vector<16xi32>
    %reduce_max3A_11 = arith.xori %get3A_7, %reduce_max3A_10 : vector<16xi32>
    %reduce_max3A_12 = tpu.scan <max>, %reduce_max3A_11 masked %reduce_max3A_8 : vector<16xi32>, vector<16xi1> -> vector<16xi32>
    %reduce_max3A_13 = arith.xori %reduce_max3A_12, %reduce_max3A_10 : vector<16xi32>
    %reduce_max3A_14 = vector.extract %reduce_max3A_13[15] : i32 from vector<16xi32>
    %ge3A = arith.constant 0 : i32
    %ge3A_15 = arith.cmpi sge, %reduce_max3A_14, %ge3A : i32
    %convert_element_type3A = arith.extui %ge3A_15 : i1 to i32
    %cond3A = arith.constant 0 : i32
    %cond3A_16 = arith.cmpi ne, %convert_element_type3A, %cond3A : i32
    scf.if %cond3A_16 {
      %dma_start3A = arith.constant 0 : i32
      %dma_start3A_38 = tpu.memref_slice %arg2[%reduce_max3A_14, %dma_start3A] : memref<2048x16384xf32, #tpu.memory_space<hbm>> -> memref<1x16384xf32, #tpu.memory_space<hbm>>
      %dma_start3A_39 = arith.constant 0 : i32
      %dma_start3A_40 = tpu.memref_slice %arg2[%reduce_max3A_14, %dma_start3A_39] : memref<2048x16384xf32, #tpu.memory_space<hbm>> -> memref<1x16384xf32, #tpu.memory_space<hbm>>
      tpu.enqueue_dma source(%dma_start3A_40 : memref<1x16384xf32, #tpu.memory_space<hbm>>) target(%arg7 : memref<1x16384xf32, #tpu.memory_space<vmem>>) target_semaphore(%arg11 : memref<!tpu.dma_semaphore, #tpu.memory_space<semaphore_mem>>)
      %dma_wait3A = arith.constant 0 : i32
      %dma_wait3A_41 = tpu.memref_slice %arg2[%reduce_max3A_14, %dma_wait3A] : memref<2048x16384xf32, #tpu.memory_space<hbm>> -> memref<1x16384xf32, #tpu.memory_space<hbm>>
      %dma_wait3A_42 = arith.constant 0 : i32
      %dma_wait3A_43 = tpu.memref_slice %arg2[%reduce_max3A_14, %dma_wait3A_42] : memref<2048x16384xf32, #tpu.memory_space<hbm>> -> memref<1x16384xf32, #tpu.memory_space<hbm>>
      tpu.wait_dma2 semaphore(%arg11 : memref<!tpu.dma_semaphore, #tpu.memory_space<semaphore_mem>>) src(%dma_wait3A_43 : memref<1x16384xf32, #tpu.memory_space<hbm>>) dst(%arg7 : memref<1x16384xf32, #tpu.memory_space<vmem>>)
      "tpu.region"() ({
        %run_scoped3A = tpu.sem_alloc : memref<!tpu.dma_semaphore, #tpu.memory_space<semaphore_mem>>
        %dma_start3A_57 = arith.constant 0 : i32
        %dma_start3A_58 = tpu.memref_slice %arg3[%add3A_4, %dma_start3A_57] : memref<64x128xf32, #tpu.memory_space<hbm>> -> memref<1x128xf32, #tpu.memory_space<hbm>>
        %dma_start3A_59 = arith.constant 0 : i32
        %dma_start3A_60 = tpu.memref_slice %arg3[%add3A_4, %dma_start3A_59] : memref<64x128xf32, #tpu.memory_space<hbm>> -> memref<1x128xf32, #tpu.memory_space<hbm>>
        tpu.enqueue_dma source(%dma_start3A_60 : memref<1x128xf32, #tpu.memory_space<hbm>>) target(%arg8 : memref<1x128xf32, #tpu.memory_space<vmem>>) target_semaphore(%run_scoped3A : memref<!tpu.dma_semaphore, #tpu.memory_space<semaphore_mem>>)
        %dma_wait3A_61 = arith.constant 0 : i32
        %dma_wait3A_62 = tpu.memref_slice %arg3[%add3A_4, %dma_wait3A_61] : memref<64x128xf32, #tpu.memory_space<hbm>> -> memref<1x128xf32, #tpu.memory_space<hbm>>
        %dma_wait3A_63 = arith.constant 0 : i32
        %dma_wait3A_64 = tpu.memref_slice %arg3[%add3A_4, %dma_wait3A_63] : memref<64x128xf32, #tpu.memory_space<hbm>> -> memref<1x128xf32, #tpu.memory_space<hbm>>
        tpu.wait_dma2 semaphore(%run_scoped3A : memref<!tpu.dma_semaphore, #tpu.memory_space<semaphore_mem>>) src(%dma_wait3A_64 : memref<1x128xf32, #tpu.memory_space<hbm>>) dst(%arg8 : memref<1x128xf32, #tpu.memory_space<vmem>>)
        tpu.yield
      }) : () -> ()
      "tpu.region"() ({
        %run_scoped3A = tpu.sem_alloc : memref<!tpu.dma_semaphore, #tpu.memory_space<semaphore_mem>>
        %dma_start3A_57 = arith.constant 0 : i32
        %dma_start3A_58 = tpu.memref_slice %arg4[%add3A_4, %dma_start3A_57] : memref<64x128xf32, #tpu.memory_space<hbm>> -> memref<1x128xf32, #tpu.memory_space<hbm>>
        %dma_start3A_59 = arith.constant 0 : i32
        %dma_start3A_60 = tpu.memref_slice %arg4[%add3A_4, %dma_start3A_59] : memref<64x128xf32, #tpu.memory_space<hbm>> -> memref<1x128xf32, #tpu.memory_space<hbm>>
        tpu.enqueue_dma source(%dma_start3A_60 : memref<1x128xf32, #tpu.memory_space<hbm>>) target(%arg9 : memref<1x128xf32, #tpu.memory_space<vmem>>) target_semaphore(%run_scoped3A : memref<!tpu.dma_semaphore, #tpu.memory_space<semaphore_mem>>)
        %dma_wait3A_61 = arith.constant 0 : i32
        %dma_wait3A_62 = tpu.memref_slice %arg4[%add3A_4, %dma_wait3A_61] : memref<64x128xf32, #tpu.memory_space<hbm>> -> memref<1x128xf32, #tpu.memory_space<hbm>>
        %dma_wait3A_63 = arith.constant 0 : i32
        %dma_wait3A_64 = tpu.memref_slice %arg4[%add3A_4, %dma_wait3A_63] : memref<64x128xf32, #tpu.memory_space<hbm>> -> memref<1x128xf32, #tpu.memory_space<hbm>>
        tpu.wait_dma2 semaphore(%run_scoped3A : memref<!tpu.dma_semaphore, #tpu.memory_space<semaphore_mem>>) src(%dma_wait3A_64 : memref<1x128xf32, #tpu.memory_space<hbm>>) dst(%arg9 : memref<1x128xf32, #tpu.memory_space<vmem>>)
        tpu.yield
      }) : () -> ()
      %scan3A = arith.constant 0 : i32
      %scan3A_44 = arith.constant 0 : i32
      %scan3A_45 = arith.constant 64 : i32
      %scan3A_46 = arith.addi %scan3A_44, %scan3A_45 : i32
      %scan3A_47 = arith.constant 1 : i32
      scf.for %scan3A_57 = %scan3A_44 to %scan3A_46 step %scan3A_47  : i32 {
        %jit3A = arith.constant 8 : i32
        %div3A = arith.divsi %scan3A_57, %jit3A : i32
        %sign3A = arith.constant 0 : i32
        %sign3A_58 = arith.cmpi sgt, %scan3A_57, %sign3A : i32
        %sign3A_59 = arith.extui %sign3A_58 : i1 to i32
        %sign3A_60 = arith.constant 0 : i32
        %sign3A_61 = arith.cmpi slt, %scan3A_57, %sign3A_60 : i32
        %sign3A_62 = arith.extui %sign3A_61 : i1 to i32
        %sign3A_63 = arith.subi %sign3A_59, %sign3A_62 : i32
        %sign3A_64 = arith.constant 0 : i32
        %sign3A_65 = arith.cmpi sgt, %jit3A, %sign3A_64 : i32
        %sign3A_66 = arith.extui %sign3A_65 : i1 to i32
        %sign3A_67 = arith.constant 0 : i32
        %sign3A_68 = arith.cmpi slt, %jit3A, %sign3A_67 : i32
        %sign3A_69 = arith.extui %sign3A_68 : i1 to i32
        %sign3A_70 = arith.subi %sign3A_66, %sign3A_69 : i32
        %ne3A = arith.cmpi ne, %sign3A_63, %sign3A_70 : i32
        %rem3A = arith.remsi %scan3A_57, %jit3A : i32
        %ne3A_71 = arith.constant 0 : i32
        %ne3A_72 = arith.cmpi ne, %rem3A, %ne3A_71 : i32
        %and3A = arith.andi %ne3A, %ne3A_72 : i1
        %sub3A = arith.constant 1 : i32
        %sub3A_73 = arith.subi %div3A, %sub3A : i32
        %select_n3A = arith.select %and3A, %sub3A_73, %div3A : i32
        %mul3A_74 = arith.constant 8 : i32
        %mul3A_75 = arith.muli %select_n3A, %mul3A_74 : i32
        %sub3A_76 = arith.subi %scan3A_57, %mul3A_75 : i32
        %mul3A_77 = arith.constant 16 : i32
        %mul3A_78 = arith.muli %sub3A_76, %mul3A_77 : i32
        %mul3A_79 = arith.constant 16 : i32
        %mul3A_80 = arith.muli %select_n3A, %mul3A_79 : i32
        %add3A_81 = arith.addi %mul3A_80, %sub3A_76 : i32
        %mul3A_82 = arith.constant 128 : i32
        %mul3A_83 = arith.muli %add3A_81, %mul3A_82 : i32
        %add3A_84 = arith.constant 1024 : i32
        %add3A_85 = arith.addi %mul3A_83, %add3A_84 : i32
        %get3A_86 = arith.constant 0 : i32
        %get3A_87 = arith.index_cast %get3A_86 : i32 to index
        %get3A_88 = arith.index_cast %mul3A_78 : i32 to index
        %get3A_89 = tpu.vector_load %arg8[%get3A_87, %get3A_88] {strides = array<i32>} : memref<1x128xf32, #tpu.memory_space<vmem>>, vector<16xf32>,
        %get3A_90 = arith.constant 0 : i32
        %get3A_91 = arith.index_cast %get3A_90 : i32 to index
        %get3A_92 = arith.index_cast %mul3A_78 : i32 to index
        %get3A_93 = tpu.vector_load %arg9[%get3A_91, %get3A_92] {strides = array<i32>} : memref<1x128xf32, #tpu.memory_space<vmem>>, vector<16xf32>,
        %add3A_94 = arith.constant 0 : i32
        %add3A_95 = arith.addi %mul3A_83, %add3A_94 : i32
        %add3A_96 = arith.constant 0 : i32
        %add3A_97 = arith.addi %add3A_85, %add3A_96 : i32
        %get3A_98 = arith.constant 0 : i32
        %get3A_99 = arith.index_cast %get3A_98 : i32 to index
        %get3A_100 = arith.index_cast %add3A_95 : i32 to index
        %get3A_101 = tpu.vector_load %arg7[%get3A_99, %get3A_100] {strides = array<i32>} : memref<1x16384xf32, #tpu.memory_space<vmem>>, vector<16xf32>,
        %get3A_102 = arith.constant 0 : i32
        %get3A_103 = arith.index_cast %get3A_102 : i32 to index
        %get3A_104 = arith.index_cast %add3A_97 : i32 to index
        %get3A_105 = tpu.vector_load %arg7[%get3A_103, %get3A_104] {strides = array<i32>} : memref<1x16384xf32, #tpu.memory_space<vmem>>, vector<16xf32>,
        %mul3A_106 = arith.mulf %get3A_101, %get3A_89 : vector<16xf32>
        %mul3A_107 = arith.mulf %get3A_105, %get3A_93 : vector<16xf32>
        %sub3A_108 = arith.subf %mul3A_106, %mul3A_107 : vector<16xf32>
        %swap3A = arith.constant 0 : i32
        %swap3A_109 = arith.index_cast %swap3A : i32 to index
        %swap3A_110 = arith.index_cast %add3A_95 : i32 to index
        %swap3A_111 = tpu.vector_load %arg7[%swap3A_109, %swap3A_110] {strides = array<i32>} : memref<1x16384xf32, #tpu.memory_space<vmem>>, vector<16xf32>,
        tpu.vector_store %arg7[%swap3A_109, %swap3A_110], %sub3A_108 {strides = array<i32>} : memref<1x16384xf32, #tpu.memory_space<vmem>>, vector<16xf32>,
        %mul3A_112 = arith.mulf %get3A_105, %get3A_89 : vector<16xf32>
        %mul3A_113 = arith.mulf %get3A_101, %get3A_93 : vector<16xf32>
        %add3A_114 = arith.addf %mul3A_112, %mul3A_113 : vector<16xf32>
        %swap3A_115 = arith.constant 0 : i32
        %swap3A_116 = arith.index_cast %swap3A_115 : i32 to index
        %swap3A_117 = arith.index_cast %add3A_97 : i32 to index
        %swap3A_118 = tpu.vector_load %arg7[%swap3A_116, %swap3A_117] {strides = array<i32>} : memref<1x16384xf32, #tpu.memory_space<vmem>>, vector<16xf32>,
        tpu.vector_store %arg7[%swap3A_116, %swap3A_117], %add3A_114 {strides = array<i32>} : memref<1x16384xf32, #tpu.memory_space<vmem>>, vector<16xf32>,
        %add3A_119 = arith.constant 16 : i32
        %add3A_120 = arith.addi %mul3A_83, %add3A_119 : i32
        %add3A_121 = arith.constant 16 : i32
        %add3A_122 = arith.addi %add3A_85, %add3A_121 : i32
        %get3A_123 = arith.constant 0 : i32
        %get3A_124 = arith.index_cast %get3A_123 : i32 to index
        %get3A_125 = arith.index_cast %add3A_120 : i32 to index
        %get3A_126 = tpu.vector_load %arg7[%get3A_124, %get3A_125] {strides = array<i32>} : memref<1x16384xf32, #tpu.memory_space<vmem>>, vector<16xf32>,
        %get3A_127 = arith.constant 0 : i32
        %get3A_128 = arith.index_cast %get3A_127 : i32 to index
        %get3A_129 = arith.index_cast %add3A_122 : i32 to index
        %get3A_130 = tpu.vector_load %arg7[%get3A_128, %get3A_129] {strides = array<i32>} : memref<1x16384xf32, #tpu.memory_space<vmem>>, vector<16xf32>,
        %mul3A_131 = arith.mulf %get3A_126, %get3A_89 : vector<16xf32>
        %mul3A_132 = arith.mulf %get3A_130, %get3A_93 : vector<16xf32>
        %sub3A_133 = arith.subf %mul3A_131, %mul3A_132 : vector<16xf32>
        %swap3A_134 = arith.constant 0 : i32
        %swap3A_135 = arith.index_cast %swap3A_134 : i32 to index
        %swap3A_136 = arith.index_cast %add3A_120 : i32 to index
        %swap3A_137 = tpu.vector_load %arg7[%swap3A_135, %swap3A_136] {strides = array<i32>} : memref<1x16384xf32, #tpu.memory_space<vmem>>, vector<16xf32>,
        tpu.vector_store %arg7[%swap3A_135, %swap3A_136], %sub3A_133 {strides = array<i32>} : memref<1x16384xf32, #tpu.memory_space<vmem>>, vector<16xf32>,
        %mul3A_138 = arith.mulf %get3A_130, %get3A_89 : vector<16xf32>
        %mul3A_139 = arith.mulf %get3A_126, %get3A_93 : vector<16xf32>
        %add3A_140 = arith.addf %mul3A_138, %mul3A_139 : vector<16xf32>
        %swap3A_141 = arith.constant 0 : i32
        %swap3A_142 = arith.index_cast %swap3A_141 : i32 to index
        %swap3A_143 = arith.index_cast %add3A_122 : i32 to index
        %swap3A_144 = tpu.vector_load %arg7[%swap3A_142, %swap3A_143] {strides = array<i32>} : memref<1x16384xf32, #tpu.memory_space<vmem>>, vector<16xf32>,
        tpu.vector_store %arg7[%swap3A_142, %swap3A_143], %add3A_140 {strides = array<i32>} : memref<1x16384xf32, #tpu.memory_space<vmem>>, vector<16xf32>,
        %add3A_145 = arith.constant 32 : i32
        %add3A_146 = arith.addi %mul3A_83, %add3A_145 : i32
        %add3A_147 = arith.constant 32 : i32
        %add3A_148 = arith.addi %add3A_85, %add3A_147 : i32
        %get3A_149 = arith.constant 0 : i32
        %get3A_150 = arith.index_cast %get3A_149 : i32 to index
        %get3A_151 = arith.index_cast %add3A_146 : i32 to index
        %get3A_152 = tpu.vector_load %arg7[%get3A_150, %get3A_151] {strides = array<i32>} : memref<1x16384xf32, #tpu.memory_space<vmem>>, vector<16xf32>,
        %get3A_153 = arith.constant 0 : i32
        %get3A_154 = arith.index_cast %get3A_153 : i32 to index
        %get3A_155 = arith.index_cast %add3A_148 : i32 to index
        %get3A_156 = tpu.vector_load %arg7[%get3A_154, %get3A_155] {strides = array<i32>} : memref<1x16384xf32, #tpu.memory_space<vmem>>, vector<16xf32>,
        %mul3A_157 = arith.mulf %get3A_152, %get3A_89 : vector<16xf32>
        %mul3A_158 = arith.mulf %get3A_156, %get3A_93 : vector<16xf32>
        %sub3A_159 = arith.subf %mul3A_157, %mul3A_158 : vector<16xf32>
        %swap3A_160 = arith.constant 0 : i32
        %swap3A_161 = arith.index_cast %swap3A_160 : i32 to index
        %swap3A_162 = arith.index_cast %add3A_146 : i32 to index
        %swap3A_163 = tpu.vector_load %arg7[%swap3A_161, %swap3A_162] {strides = array<i32>} : memref<1x16384xf32, #tpu.memory_space<vmem>>, vector<16xf32>,
        tpu.vector_store %arg7[%swap3A_161, %swap3A_162], %sub3A_159 {strides = array<i32>} : memref<1x16384xf32, #tpu.memory_space<vmem>>, vector<16xf32>,
        %mul3A_164 = arith.mulf %get3A_156, %get3A_89 : vector<16xf32>
        %mul3A_165 = arith.mulf %get3A_152, %get3A_93 : vector<16xf32>
        %add3A_166 = arith.addf %mul3A_164, %mul3A_165 : vector<16xf32>
        %swap3A_167 = arith.constant 0 : i32
        %swap3A_168 = arith.index_cast %swap3A_167 : i32 to index
        %swap3A_169 = arith.index_cast %add3A_148 : i32 to index
        %swap3A_170 = tpu.vector_load %arg7[%swap3A_168, %swap3A_169] {strides = array<i32>} : memref<1x16384xf32, #tpu.memory_space<vmem>>, vector<16xf32>,
        tpu.vector_store %arg7[%swap3A_168, %swap3A_169], %add3A_166 {strides = array<i32>} : memref<1x16384xf32, #tpu.memory_space<vmem>>, vector<16xf32>,
        %add3A_171 = arith.constant 48 : i32
        %add3A_172 = arith.addi %mul3A_83, %add3A_171 : i32
        %add3A_173 = arith.constant 48 : i32
        %add3A_174 = arith.addi %add3A_85, %add3A_173 : i32
        %get3A_175 = arith.constant 0 : i32
        %get3A_176 = arith.index_cast %get3A_175 : i32 to index
        %get3A_177 = arith.index_cast %add3A_172 : i32 to index
        %get3A_178 = tpu.vector_load %arg7[%get3A_176, %get3A_177] {strides = array<i32>} : memref<1x16384xf32, #tpu.memory_space<vmem>>, vector<16xf32>,
        %get3A_179 = arith.constant 0 : i32
        %get3A_180 = arith.index_cast %get3A_179 : i32 to index
        %get3A_181 = arith.index_cast %add3A_174 : i32 to index
        %get3A_182 = tpu.vector_load %arg7[%get3A_180, %get3A_181] {strides = array<i32>} : memref<1x16384xf32, #tpu.memory_space<vmem>>, vector<16xf32>,
        %mul3A_183 = arith.mulf %get3A_178, %get3A_89 : vector<16xf32>
        %mul3A_184 = arith.mulf %get3A_182, %get3A_93 : vector<16xf32>
        %sub3A_185 = arith.subf %mul3A_183, %mul3A_184 : vector<16xf32>
        %swap3A_186 = arith.constant 0 : i32
        %swap3A_187 = arith.index_cast %swap3A_186 : i32 to index
        %swap3A_188 = arith.index_cast %add3A_172 : i32 to index
        %swap3A_189 = tpu.vector_load %arg7[%swap3A_187, %swap3A_188] {strides = array<i32>} : memref<1x16384xf32, #tpu.memory_space<vmem>>, vector<16xf32>,
        tpu.vector_store %arg7[%swap3A_187, %swap3A_188], %sub3A_185 {strides = array<i32>} : memref<1x16384xf32, #tpu.memory_space<vmem>>, vector<16xf32>,
        %mul3A_190 = arith.mulf %get3A_182, %get3A_89 : vector<16xf32>
        %mul3A_191 = arith.mulf %get3A_178, %get3A_93 : vector<16xf32>
        %add3A_192 = arith.addf %mul3A_190, %mul3A_191 : vector<16xf32>
        %swap3A_193 = arith.constant 0 : i32
        %swap3A_194 = arith.index_cast %swap3A_193 : i32 to index
        %swap3A_195 = arith.index_cast %add3A_174 : i32 to index
        %swap3A_196 = tpu.vector_load %arg7[%swap3A_194, %swap3A_195] {strides = array<i32>} : memref<1x16384xf32, #tpu.memory_space<vmem>>, vector<16xf32>,
        tpu.vector_store %arg7[%swap3A_194, %swap3A_195], %add3A_192 {strides = array<i32>} : memref<1x16384xf32, #tpu.memory_space<vmem>>, vector<16xf32>,
        %add3A_197 = arith.constant 64 : i32
        %add3A_198 = arith.addi %mul3A_83, %add3A_197 : i32
        %add3A_199 = arith.constant 64 : i32
        %add3A_200 = arith.addi %add3A_85, %add3A_199 : i32
        %get3A_201 = arith.constant 0 : i32
        %get3A_202 = arith.index_cast %get3A_201 : i32 to index
        %get3A_203 = arith.index_cast %add3A_198 : i32 to index
        %get3A_204 = tpu.vector_load %arg7[%get3A_202, %get3A_203] {strides = array<i32>} : memref<1x16384xf32, #tpu.memory_space<vmem>>, vector<16xf32>,
        %get3A_205 = arith.constant 0 : i32
        %get3A_206 = arith.index_cast %get3A_205 : i32 to index
        %get3A_207 = arith.index_cast %add3A_200 : i32 to index
        %get3A_208 = tpu.vector_load %arg7[%get3A_206, %get3A_207] {strides = array<i32>} : memref<1x16384xf32, #tpu.memory_space<vmem>>, vector<16xf32>,
        %mul3A_209 = arith.mulf %get3A_204, %get3A_89 : vector<16xf32>
        %mul3A_210 = arith.mulf %get3A_208, %get3A_93 : vector<16xf32>
        %sub3A_211 = arith.subf %mul3A_209, %mul3A_210 : vector<16xf32>
        %swap3A_212 = arith.constant 0 : i32
        %swap3A_213 = arith.index_cast %swap3A_212 : i32 to index
        %swap3A_214 = arith.index_cast %add3A_198 : i32 to index
        %swap3A_215 = tpu.vector_load %arg7[%swap3A_213, %swap3A_214] {strides = array<i32>} : memref<1x16384xf32, #tpu.memory_space<vmem>>, vector<16xf32>,
        tpu.vector_store %arg7[%swap3A_213, %swap3A_214], %sub3A_211 {strides = array<i32>} : memref<1x16384xf32, #tpu.memory_space<vmem>>, vector<16xf32>,
        %mul3A_216 = arith.mulf %get3A_208, %get3A_89 : vector<16xf32>
        %mul3A_217 = arith.mulf %get3A_204, %get3A_93 : vector<16xf32>
        %add3A_218 = arith.addf %mul3A_216, %mul3A_217 : vector<16xf32>
        %swap3A_219 = arith.constant 0 : i32
        %swap3A_220 = arith.index_cast %swap3A_219 : i32 to index
        %swap3A_221 = arith.index_cast %add3A_200 : i32 to index
        %swap3A_222 = tpu.vector_load %arg7[%swap3A_220, %swap3A_221] {strides = array<i32>} : memref<1x16384xf32, #tpu.memory_space<vmem>>, vector<16xf32>,
        tpu.vector_store %arg7[%swap3A_220, %swap3A_221], %add3A_218 {strides = array<i32>} : memref<1x16384xf32, #tpu.memory_space<vmem>>, vector<16xf32>,
        %add3A_223 = arith.constant 80 : i32
        %add3A_224 = arith.addi %mul3A_83, %add3A_223 : i32
        %add3A_225 = arith.constant 80 : i32
        %add3A_226 = arith.addi %add3A_85, %add3A_225 : i32
        %get3A_227 = arith.constant 0 : i32
        %get3A_228 = arith.index_cast %get3A_227 : i32 to index
        %get3A_229 = arith.index_cast %add3A_224 : i32 to index
        %get3A_230 = tpu.vector_load %arg7[%get3A_228, %get3A_229] {strides = array<i32>} : memref<1x16384xf32, #tpu.memory_space<vmem>>, vector<16xf32>,
        %get3A_231 = arith.constant 0 : i32
        %get3A_232 = arith.index_cast %get3A_231 : i32 to index
        %get3A_233 = arith.index_cast %add3A_226 : i32 to index
        %get3A_234 = tpu.vector_load %arg7[%get3A_232, %get3A_233] {strides = array<i32>} : memref<1x16384xf32, #tpu.memory_space<vmem>>, vector<16xf32>,
        %mul3A_235 = arith.mulf %get3A_230, %get3A_89 : vector<16xf32>
        %mul3A_236 = arith.mulf %get3A_234, %get3A_93 : vector<16xf32>
        %sub3A_237 = arith.subf %mul3A_235, %mul3A_236 : vector<16xf32>
        %swap3A_238 = arith.constant 0 : i32
        %swap3A_239 = arith.index_cast %swap3A_238 : i32 to index
        %swap3A_240 = arith.index_cast %add3A_224 : i32 to index
        %swap3A_241 = tpu.vector_load %arg7[%swap3A_239, %swap3A_240] {strides = array<i32>} : memref<1x16384xf32, #tpu.memory_space<vmem>>, vector<16xf32>,
        tpu.vector_store %arg7[%swap3A_239, %swap3A_240], %sub3A_237 {strides = array<i32>} : memref<1x16384xf32, #tpu.memory_space<vmem>>, vector<16xf32>,
        %mul3A_242 = arith.mulf %get3A_234, %get3A_89 : vector<16xf32>
        %mul3A_243 = arith.mulf %get3A_230, %get3A_93 : vector<16xf32>
        %add3A_244 = arith.addf %mul3A_242, %mul3A_243 : vector<16xf32>
        %swap3A_245 = arith.constant 0 : i32
        %swap3A_246 = arith.index_cast %swap3A_245 : i32 to index
        %swap3A_247 = arith.index_cast %add3A_226 : i32 to index
        %swap3A_248 = tpu.vector_load %arg7[%swap3A_246, %swap3A_247] {strides = array<i32>} : memref<1x16384xf32, #tpu.memory_space<vmem>>, vector<16xf32>,
        tpu.vector_store %arg7[%swap3A_246, %swap3A_247], %add3A_244 {strides = array<i32>} : memref<1x16384xf32, #tpu.memory_space<vmem>>, vector<16xf32>,
        %add3A_249 = arith.constant 96 : i32
        %add3A_250 = arith.addi %mul3A_83, %add3A_249 : i32
        %add3A_251 = arith.constant 96 : i32
        %add3A_252 = arith.addi %add3A_85, %add3A_251 : i32
        %get3A_253 = arith.constant 0 : i32
        %get3A_254 = arith.index_cast %get3A_253 : i32 to index
        %get3A_255 = arith.index_cast %add3A_250 : i32 to index
        %get3A_256 = tpu.vector_load %arg7[%get3A_254, %get3A_255] {strides = array<i32>} : memref<1x16384xf32, #tpu.memory_space<vmem>>, vector<16xf32>,
        %get3A_257 = arith.constant 0 : i32
        %get3A_258 = arith.index_cast %get3A_257 : i32 to index
        %get3A_259 = arith.index_cast %add3A_252 : i32 to index
        %get3A_260 = tpu.vector_load %arg7[%get3A_258, %get3A_259] {strides = array<i32>} : memref<1x16384xf32, #tpu.memory_space<vmem>>, vector<16xf32>,
        %mul3A_261 = arith.mulf %get3A_256, %get3A_89 : vector<16xf32>
        %mul3A_262 = arith.mulf %get3A_260, %get3A_93 : vector<16xf32>
        %sub3A_263 = arith.subf %mul3A_261, %mul3A_262 : vector<16xf32>
        %swap3A_264 = arith.constant 0 : i32
        %swap3A_265 = arith.index_cast %swap3A_264 : i32 to index
        %swap3A_266 = arith.index_cast %add3A_250 : i32 to index
        %swap3A_267 = tpu.vector_load %arg7[%swap3A_265, %swap3A_266] {strides = array<i32>} : memref<1x16384xf32, #tpu.memory_space<vmem>>, vector<16xf32>,
        tpu.vector_store %arg7[%swap3A_265, %swap3A_266], %sub3A_263 {strides = array<i32>} : memref<1x16384xf32, #tpu.memory_space<vmem>>, vector<16xf32>,
        %mul3A_268 = arith.mulf %get3A_260, %get3A_89 : vector<16xf32>
        %mul3A_269 = arith.mulf %get3A_256, %get3A_93 : vector<16xf32>
        %add3A_270 = arith.addf %mul3A_268, %mul3A_269 : vector<16xf32>
        %swap3A_271 = arith.constant 0 : i32
        %swap3A_272 = arith.index_cast %swap3A_271 : i32 to index
        %swap3A_273 = arith.index_cast %add3A_252 : i32 to index
        %swap3A_274 = tpu.vector_load %arg7[%swap3A_272, %swap3A_273] {strides = array<i32>} : memref<1x16384xf32, #tpu.memory_space<vmem>>, vector<16xf32>,
        tpu.vector_store %arg7[%swap3A_272, %swap3A_273], %add3A_270 {strides = array<i32>} : memref<1x16384xf32, #tpu.memory_space<vmem>>, vector<16xf32>,
        %add3A_275 = arith.constant 112 : i32
        %add3A_276 = arith.addi %mul3A_83, %add3A_275 : i32
        %add3A_277 = arith.constant 112 : i32
        %add3A_278 = arith.addi %add3A_85, %add3A_277 : i32
        %get3A_279 = arith.constant 0 : i32
        %get3A_280 = arith.index_cast %get3A_279 : i32 to index
        %get3A_281 = arith.index_cast %add3A_276 : i32 to index
        %get3A_282 = tpu.vector_load %arg7[%get3A_280, %get3A_281] {strides = array<i32>} : memref<1x16384xf32, #tpu.memory_space<vmem>>, vector<16xf32>,
        %get3A_283 = arith.constant 0 : i32
        %get3A_284 = arith.index_cast %get3A_283 : i32 to index
        %get3A_285 = arith.index_cast %add3A_278 : i32 to index
        %get3A_286 = tpu.vector_load %arg7[%get3A_284, %get3A_285] {strides = array<i32>} : memref<1x16384xf32, #tpu.memory_space<vmem>>, vector<16xf32>,
        %mul3A_287 = arith.mulf %get3A_282, %get3A_89 : vector<16xf32>
        %mul3A_288 = arith.mulf %get3A_286, %get3A_93 : vector<16xf32>
        %sub3A_289 = arith.subf %mul3A_287, %mul3A_288 : vector<16xf32>
        %swap3A_290 = arith.constant 0 : i32
        %swap3A_291 = arith.index_cast %swap3A_290 : i32 to index
        %swap3A_292 = arith.index_cast %add3A_276 : i32 to index
        %swap3A_293 = tpu.vector_load %arg7[%swap3A_291, %swap3A_292] {strides = array<i32>} : memref<1x16384xf32, #tpu.memory_space<vmem>>, vector<16xf32>,
        tpu.vector_store %arg7[%swap3A_291, %swap3A_292], %sub3A_289 {strides = array<i32>} : memref<1x16384xf32, #tpu.memory_space<vmem>>, vector<16xf32>,
        %mul3A_294 = arith.mulf %get3A_286, %get3A_89 : vector<16xf32>
        %mul3A_295 = arith.mulf %get3A_282, %get3A_93 : vector<16xf32>
        %add3A_296 = arith.addf %mul3A_294, %mul3A_295 : vector<16xf32>
        %swap3A_297 = arith.constant 0 : i32
        %swap3A_298 = arith.index_cast %swap3A_297 : i32 to index
        %swap3A_299 = arith.index_cast %add3A_278 : i32 to index
        %swap3A_300 = tpu.vector_load %arg7[%swap3A_298, %swap3A_299] {strides = array<i32>} : memref<1x16384xf32, #tpu.memory_space<vmem>>, vector<16xf32>,
        tpu.vector_store %arg7[%swap3A_298, %swap3A_299], %add3A_296 {strides = array<i32>} : memref<1x16384xf32, #tpu.memory_space<vmem>>, vector<16xf32>,
      }
      %scan3A_48 = arith.constant 64 : i32
      %dma_start3A_49 = arith.constant 0 : i32
      %dma_start3A_50 = tpu.memref_slice %arg2[%reduce_max3A_14, %dma_start3A_49] : memref<2048x16384xf32, #tpu.memory_space<hbm>> -> memref<1x16384xf32, #tpu.memory_space<hbm>>
      %dma_start3A_51 = arith.constant 0 : i32
      %dma_start3A_52 = tpu.memref_slice %arg2[%reduce_max3A_14, %dma_start3A_51] : memref<2048x16384xf32, #tpu.memory_space<hbm>> -> memref<1x16384xf32, #tpu.memory_space<hbm>>
      tpu.enqueue_dma source(%arg7 : memref<1x16384xf32, #tpu.memory_space<vmem>>) target(%dma_start3A_52 : memref<1x16384xf32, #tpu.memory_space<hbm>>) target_semaphore(%arg11 : memref<!tpu.dma_semaphore, #tpu.memory_space<semaphore_mem>>)
      %dma_wait3A_53 = arith.constant 0 : i32
      %dma_wait3A_54 = tpu.memref_slice %arg2[%reduce_max3A_14, %dma_wait3A_53] : memref<2048x16384xf32, #tpu.memory_space<hbm>> -> memref<1x16384xf32, #tpu.memory_space<hbm>>
      %dma_wait3A_55 = arith.constant 0 : i32
      %dma_wait3A_56 = tpu.memref_slice %arg2[%reduce_max3A_14, %dma_wait3A_55] : memref<2048x16384xf32, #tpu.memory_space<hbm>> -> memref<1x16384xf32, #tpu.memory_space<hbm>>
      tpu.wait_dma2 semaphore(%arg11 : memref<!tpu.dma_semaphore, #tpu.memory_space<semaphore_mem>>) src(%arg7 : memref<1x16384xf32, #tpu.memory_space<vmem>>) dst(%dma_wait3A_56 : memref<1x16384xf32, #tpu.memory_space<hbm>>)
    } else {
    }
    %mul3A_17 = arith.constant 2 : i32
    %mul3A_18 = arith.muli %add3A, %mul3A_17 : i32
    %add3A_19 = arith.constant 1 : i32
    %add3A_20 = arith.addi %mul3A_18, %add3A_19 : i32
    "tpu.region"() ({
      %run_scoped3A = tpu.sem_alloc : memref<!tpu.dma_semaphore, #tpu.memory_space<semaphore_mem>>
      %dma_start3A = arith.constant 0 : i32
      %dma_start3A_38 = tpu.memref_slice %arg5[%add3A_20, %dma_start3A] : memref<64x16xi32, #tpu.memory_space<hbm>> -> memref<1x16xi32, #tpu.memory_space<hbm>>
      %dma_start3A_39 = arith.constant 0 : i32
      %dma_start3A_40 = tpu.memref_slice %arg5[%add3A_20, %dma_start3A_39] : memref<64x16xi32, #tpu.memory_space<hbm>> -> memref<1x16xi32, #tpu.memory_space<hbm>>
      tpu.enqueue_dma source(%dma_start3A_40 : memref<1x16xi32, #tpu.memory_space<hbm>>) target(%arg10 : memref<1x16xi32, #tpu.memory_space<vmem>>) target_semaphore(%run_scoped3A : memref<!tpu.dma_semaphore, #tpu.memory_space<semaphore_mem>>)
      %dma_wait3A = arith.constant 0 : i32
      %dma_wait3A_41 = tpu.memref_slice %arg5[%add3A_20, %dma_wait3A] : memref<64x16xi32, #tpu.memory_space<hbm>> -> memref<1x16xi32, #tpu.memory_space<hbm>>
      %dma_wait3A_42 = arith.constant 0 : i32
      %dma_wait3A_43 = tpu.memref_slice %arg5[%add3A_20, %dma_wait3A_42] : memref<64x16xi32, #tpu.memory_space<hbm>> -> memref<1x16xi32, #tpu.memory_space<hbm>>
      tpu.wait_dma2 semaphore(%run_scoped3A : memref<!tpu.dma_semaphore, #tpu.memory_space<semaphore_mem>>) src(%dma_wait3A_43 : memref<1x16xi32, #tpu.memory_space<hbm>>) dst(%arg10 : memref<1x16xi32, #tpu.memory_space<vmem>>)
      tpu.yield
    }) : () -> ()
    %get3A_21 = arith.constant 0 : i32
    %get3A_22 = arith.index_cast %get3A_21 : i32 to index
    %get3A_23 = arith.constant 0 : index
    %get3A_24 = tpu.vector_load %arg10[%get3A_22, %get3A_23] {strides = array<i32>} : memref<1x16xi32, #tpu.memory_space<vmem>>, vector<16xi32>,
    %reduce_max3A_25 = arith.constant true
    %reduce_max3A_26 = vector.broadcast %reduce_max3A_25 : i1 to vector<16xi1>
    %reduce_max3A_27 = arith.constant -2147483648 : i32
    %reduce_max3A_28 = vector.broadcast %reduce_max3A_27 : i32 to vector<16xi32>
    %reduce_max3A_29 = arith.xori %get3A_24, %reduce_max3A_28 : vector<16xi32>
    %reduce_max3A_30 = tpu.scan <max>, %reduce_max3A_29 masked %reduce_max3A_26 : vector<16xi32>, vector<16xi1> -> vector<16xi32>
    %reduce_max3A_31 = arith.xori %reduce_max3A_30, %reduce_max3A_28 : vector<16xi32>
    %reduce_max3A_32 = vector.extract %reduce_max3A_31[15] : i32 from vector<16xi32>
    %ge3A_33 = arith.constant 0 : i32
    %ge3A_34 = arith.cmpi sge, %reduce_max3A_32, %ge3A_33 : i32
    %convert_element_type3A_35 = arith.extui %ge3A_34 : i1 to i32
    %cond3A_36 = arith.constant 0 : i32
    %cond3A_37 = arith.cmpi ne, %convert_element_type3A_35, %cond3A_36 : i32
    scf.if %cond3A_37 {
      %dma_start3A = arith.constant 0 : i32
      %dma_start3A_38 = tpu.memref_slice %arg2[%reduce_max3A_32, %dma_start3A] : memref<2048x16384xf32, #tpu.memory_space<hbm>> -> memref<1x16384xf32, #tpu.memory_space<hbm>>
      %dma_start3A_39 = arith.constant 0 : i32
      %dma_start3A_40 = tpu.memref_slice %arg2[%reduce_max3A_32, %dma_start3A_39] : memref<2048x16384xf32, #tpu.memory_space<hbm>> -> memref<1x16384xf32, #tpu.memory_space<hbm>>
      tpu.enqueue_dma source(%dma_start3A_40 : memref<1x16384xf32, #tpu.memory_space<hbm>>) target(%arg7 : memref<1x16384xf32, #tpu.memory_space<vmem>>) target_semaphore(%arg11 : memref<!tpu.dma_semaphore, #tpu.memory_space<semaphore_mem>>)
      %dma_wait3A = arith.constant 0 : i32
      %dma_wait3A_41 = tpu.memref_slice %arg2[%reduce_max3A_32, %dma_wait3A] : memref<2048x16384xf32, #tpu.memory_space<hbm>> -> memref<1x16384xf32, #tpu.memory_space<hbm>>
      %dma_wait3A_42 = arith.constant 0 : i32
      %dma_wait3A_43 = tpu.memref_slice %arg2[%reduce_max3A_32, %dma_wait3A_42] : memref<2048x16384xf32, #tpu.memory_space<hbm>> -> memref<1x16384xf32, #tpu.memory_space<hbm>>
      tpu.wait_dma2 semaphore(%arg11 : memref<!tpu.dma_semaphore, #tpu.memory_space<semaphore_mem>>) src(%dma_wait3A_43 : memref<1x16384xf32, #tpu.memory_space<hbm>>) dst(%arg7 : memref<1x16384xf32, #tpu.memory_space<vmem>>)
      "tpu.region"() ({
        %run_scoped3A = tpu.sem_alloc : memref<!tpu.dma_semaphore, #tpu.memory_space<semaphore_mem>>
        %dma_start3A_57 = arith.constant 0 : i32
        %dma_start3A_58 = tpu.memref_slice %arg3[%add3A_20, %dma_start3A_57] : memref<64x128xf32, #tpu.memory_space<hbm>> -> memref<1x128xf32, #tpu.memory_space<hbm>>
        %dma_start3A_59 = arith.constant 0 : i32
        %dma_start3A_60 = tpu.memref_slice %arg3[%add3A_20, %dma_start3A_59] : memref<64x128xf32, #tpu.memory_space<hbm>> -> memref<1x128xf32, #tpu.memory_space<hbm>>
        tpu.enqueue_dma source(%dma_start3A_60 : memref<1x128xf32, #tpu.memory_space<hbm>>) target(%arg8 : memref<1x128xf32, #tpu.memory_space<vmem>>) target_semaphore(%run_scoped3A : memref<!tpu.dma_semaphore, #tpu.memory_space<semaphore_mem>>)
        %dma_wait3A_61 = arith.constant 0 : i32
        %dma_wait3A_62 = tpu.memref_slice %arg3[%add3A_20, %dma_wait3A_61] : memref<64x128xf32, #tpu.memory_space<hbm>> -> memref<1x128xf32, #tpu.memory_space<hbm>>
        %dma_wait3A_63 = arith.constant 0 : i32
        %dma_wait3A_64 = tpu.memref_slice %arg3[%add3A_20, %dma_wait3A_63] : memref<64x128xf32, #tpu.memory_space<hbm>> -> memref<1x128xf32, #tpu.memory_space<hbm>>
        tpu.wait_dma2 semaphore(%run_scoped3A : memref<!tpu.dma_semaphore, #tpu.memory_space<semaphore_mem>>) src(%dma_wait3A_64 : memref<1x128xf32, #tpu.memory_space<hbm>>) dst(%arg8 : memref<1x128xf32, #tpu.memory_space<vmem>>)
        tpu.yield
      }) : () -> ()
      "tpu.region"() ({
        %run_scoped3A = tpu.sem_alloc : memref<!tpu.dma_semaphore, #tpu.memory_space<semaphore_mem>>
        %dma_start3A_57 = arith.constant 0 : i32
        %dma_start3A_58 = tpu.memref_slice %arg4[%add3A_20, %dma_start3A_57] : memref<64x128xf32, #tpu.memory_space<hbm>> -> memref<1x128xf32, #tpu.memory_space<hbm>>
        %dma_start3A_59 = arith.constant 0 : i32
        %dma_start3A_60 = tpu.memref_slice %arg4[%add3A_20, %dma_start3A_59] : memref<64x128xf32, #tpu.memory_space<hbm>> -> memref<1x128xf32, #tpu.memory_space<hbm>>
        tpu.enqueue_dma source(%dma_start3A_60 : memref<1x128xf32, #tpu.memory_space<hbm>>) target(%arg9 : memref<1x128xf32, #tpu.memory_space<vmem>>) target_semaphore(%run_scoped3A : memref<!tpu.dma_semaphore, #tpu.memory_space<semaphore_mem>>)
        %dma_wait3A_61 = arith.constant 0 : i32
        %dma_wait3A_62 = tpu.memref_slice %arg4[%add3A_20, %dma_wait3A_61] : memref<64x128xf32, #tpu.memory_space<hbm>> -> memref<1x128xf32, #tpu.memory_space<hbm>>
        %dma_wait3A_63 = arith.constant 0 : i32
        %dma_wait3A_64 = tpu.memref_slice %arg4[%add3A_20, %dma_wait3A_63] : memref<64x128xf32, #tpu.memory_space<hbm>> -> memref<1x128xf32, #tpu.memory_space<hbm>>
        tpu.wait_dma2 semaphore(%run_scoped3A : memref<!tpu.dma_semaphore, #tpu.memory_space<semaphore_mem>>) src(%dma_wait3A_64 : memref<1x128xf32, #tpu.memory_space<hbm>>) dst(%arg9 : memref<1x128xf32, #tpu.memory_space<vmem>>)
        tpu.yield
      }) : () -> ()
      %scan3A = arith.constant 0 : i32
      %scan3A_44 = arith.constant 0 : i32
      %scan3A_45 = arith.constant 64 : i32
      %scan3A_46 = arith.addi %scan3A_44, %scan3A_45 : i32
      %scan3A_47 = arith.constant 1 : i32
      scf.for %scan3A_57 = %scan3A_44 to %scan3A_46 step %scan3A_47  : i32 {
        %jit3A = arith.constant 8 : i32
        %div3A = arith.divsi %scan3A_57, %jit3A : i32
        %sign3A = arith.constant 0 : i32
        %sign3A_58 = arith.cmpi sgt, %scan3A_57, %sign3A : i32
        %sign3A_59 = arith.extui %sign3A_58 : i1 to i32
        %sign3A_60 = arith.constant 0 : i32
        %sign3A_61 = arith.cmpi slt, %scan3A_57, %sign3A_60 : i32
        %sign3A_62 = arith.extui %sign3A_61 : i1 to i32
        %sign3A_63 = arith.subi %sign3A_59, %sign3A_62 : i32
        %sign3A_64 = arith.constant 0 : i32
        %sign3A_65 = arith.cmpi sgt, %jit3A, %sign3A_64 : i32
        %sign3A_66 = arith.extui %sign3A_65 : i1 to i32
        %sign3A_67 = arith.constant 0 : i32
        %sign3A_68 = arith.cmpi slt, %jit3A, %sign3A_67 : i32
        %sign3A_69 = arith.extui %sign3A_68 : i1 to i32
        %sign3A_70 = arith.subi %sign3A_66, %sign3A_69 : i32
        %ne3A = arith.cmpi ne, %sign3A_63, %sign3A_70 : i32
        %rem3A = arith.remsi %scan3A_57, %jit3A : i32
        %ne3A_71 = arith.constant 0 : i32
        %ne3A_72 = arith.cmpi ne, %rem3A, %ne3A_71 : i32
        %and3A = arith.andi %ne3A, %ne3A_72 : i1
        %sub3A = arith.constant 1 : i32
        %sub3A_73 = arith.subi %div3A, %sub3A : i32
        %select_n3A = arith.select %and3A, %sub3A_73, %div3A : i32
        %mul3A_74 = arith.constant 8 : i32
        %mul3A_75 = arith.muli %select_n3A, %mul3A_74 : i32
        %sub3A_76 = arith.subi %scan3A_57, %mul3A_75 : i32
        %mul3A_77 = arith.constant 16 : i32
        %mul3A_78 = arith.muli %sub3A_76, %mul3A_77 : i32
        %mul3A_79 = arith.constant 16 : i32
        %mul3A_80 = arith.muli %select_n3A, %mul3A_79 : i32
        %add3A_81 = arith.addi %mul3A_80, %sub3A_76 : i32
        %mul3A_82 = arith.constant 128 : i32
        %mul3A_83 = arith.muli %add3A_81, %mul3A_82 : i32
        %add3A_84 = arith.constant 1024 : i32
        %add3A_85 = arith.addi %mul3A_83, %add3A_84 : i32
        %get3A_86 = arith.constant 0 : i32
        %get3A_87 = arith.index_cast %get3A_86 : i32 to index
        %get3A_88 = arith.index_cast %mul3A_78 : i32 to index
        %get3A_89 = tpu.vector_load %arg8[%get3A_87, %get3A_88] {strides = array<i32>} : memref<1x128xf32, #tpu.memory_space<vmem>>, vector<16xf32>,
        %get3A_90 = arith.constant 0 : i32
        %get3A_91 = arith.index_cast %get3A_90 : i32 to index
        %get3A_92 = arith.index_cast %mul3A_78 : i32 to index
        %get3A_93 = tpu.vector_load %arg9[%get3A_91, %get3A_92] {strides = array<i32>} : memref<1x128xf32, #tpu.memory_space<vmem>>, vector<16xf32>,
        %add3A_94 = arith.constant 0 : i32
        %add3A_95 = arith.addi %mul3A_83, %add3A_94 : i32
        %add3A_96 = arith.constant 0 : i32
        %add3A_97 = arith.addi %add3A_85, %add3A_96 : i32
        %get3A_98 = arith.constant 0 : i32
        %get3A_99 = arith.index_cast %get3A_98 : i32 to index
        %get3A_100 = arith.index_cast %add3A_95 : i32 to index
        %get3A_101 = tpu.vector_load %arg7[%get3A_99, %get3A_100] {strides = array<i32>} : memref<1x16384xf32, #tpu.memory_space<vmem>>, vector<16xf32>,
        %get3A_102 = arith.constant 0 : i32
        %get3A_103 = arith.index_cast %get3A_102 : i32 to index
        %get3A_104 = arith.index_cast %add3A_97 : i32 to index
        %get3A_105 = tpu.vector_load %arg7[%get3A_103, %get3A_104] {strides = array<i32>} : memref<1x16384xf32, #tpu.memory_space<vmem>>, vector<16xf32>,
        %mul3A_106 = arith.mulf %get3A_101, %get3A_89 : vector<16xf32>
        %mul3A_107 = arith.mulf %get3A_105, %get3A_93 : vector<16xf32>
        %sub3A_108 = arith.subf %mul3A_106, %mul3A_107 : vector<16xf32>
        %swap3A = arith.constant 0 : i32
        %swap3A_109 = arith.index_cast %swap3A : i32 to index
        %swap3A_110 = arith.index_cast %add3A_95 : i32 to index
        %swap3A_111 = tpu.vector_load %arg7[%swap3A_109, %swap3A_110] {strides = array<i32>} : memref<1x16384xf32, #tpu.memory_space<vmem>>, vector<16xf32>,
        tpu.vector_store %arg7[%swap3A_109, %swap3A_110], %sub3A_108 {strides = array<i32>} : memref<1x16384xf32, #tpu.memory_space<vmem>>, vector<16xf32>,
        %mul3A_112 = arith.mulf %get3A_105, %get3A_89 : vector<16xf32>
        %mul3A_113 = arith.mulf %get3A_101, %get3A_93 : vector<16xf32>
        %add3A_114 = arith.addf %mul3A_112, %mul3A_113 : vector<16xf32>
        %swap3A_115 = arith.constant 0 : i32
        %swap3A_116 = arith.index_cast %swap3A_115 : i32 to index
        %swap3A_117 = arith.index_cast %add3A_97 : i32 to index
        %swap3A_118 = tpu.vector_load %arg7[%swap3A_116, %swap3A_117] {strides = array<i32>} : memref<1x16384xf32, #tpu.memory_space<vmem>>, vector<16xf32>,
        tpu.vector_store %arg7[%swap3A_116, %swap3A_117], %add3A_114 {strides = array<i32>} : memref<1x16384xf32, #tpu.memory_space<vmem>>, vector<16xf32>,
        %add3A_119 = arith.constant 16 : i32
        %add3A_120 = arith.addi %mul3A_83, %add3A_119 : i32
        %add3A_121 = arith.constant 16 : i32
        %add3A_122 = arith.addi %add3A_85, %add3A_121 : i32
        %get3A_123 = arith.constant 0 : i32
        %get3A_124 = arith.index_cast %get3A_123 : i32 to index
        %get3A_125 = arith.index_cast %add3A_120 : i32 to index
        %get3A_126 = tpu.vector_load %arg7[%get3A_124, %get3A_125] {strides = array<i32>} : memref<1x16384xf32, #tpu.memory_space<vmem>>, vector<16xf32>,
        %get3A_127 = arith.constant 0 : i32
        %get3A_128 = arith.index_cast %get3A_127 : i32 to index
        %get3A_129 = arith.index_cast %add3A_122 : i32 to index
        %get3A_130 = tpu.vector_load %arg7[%get3A_128, %get3A_129] {strides = array<i32>} : memref<1x16384xf32, #tpu.memory_space<vmem>>, vector<16xf32>,
        %mul3A_131 = arith.mulf %get3A_126, %get3A_89 : vector<16xf32>
        %mul3A_132 = arith.mulf %get3A_130, %get3A_93 : vector<16xf32>
        %sub3A_133 = arith.subf %mul3A_131, %mul3A_132 : vector<16xf32>
        %swap3A_134 = arith.constant 0 : i32
        %swap3A_135 = arith.index_cast %swap3A_134 : i32 to index
        %swap3A_136 = arith.index_cast %add3A_120 : i32 to index
        %swap3A_137 = tpu.vector_load %arg7[%swap3A_135, %swap3A_136] {strides = array<i32>} : memref<1x16384xf32, #tpu.memory_space<vmem>>, vector<16xf32>,
        tpu.vector_store %arg7[%swap3A_135, %swap3A_136], %sub3A_133 {strides = array<i32>} : memref<1x16384xf32, #tpu.memory_space<vmem>>, vector<16xf32>,
        %mul3A_138 = arith.mulf %get3A_130, %get3A_89 : vector<16xf32>
        %mul3A_139 = arith.mulf %get3A_126, %get3A_93 : vector<16xf32>
        %add3A_140 = arith.addf %mul3A_138, %mul3A_139 : vector<16xf32>
        %swap3A_141 = arith.constant 0 : i32
        %swap3A_142 = arith.index_cast %swap3A_141 : i32 to index
        %swap3A_143 = arith.index_cast %add3A_122 : i32 to index
        %swap3A_144 = tpu.vector_load %arg7[%swap3A_142, %swap3A_143] {strides = array<i32>} : memref<1x16384xf32, #tpu.memory_space<vmem>>, vector<16xf32>,
        tpu.vector_store %arg7[%swap3A_142, %swap3A_143], %add3A_140 {strides = array<i32>} : memref<1x16384xf32, #tpu.memory_space<vmem>>, vector<16xf32>,
        %add3A_145 = arith.constant 32 : i32
        %add3A_146 = arith.addi %mul3A_83, %add3A_145 : i32
        %add3A_147 = arith.constant 32 : i32
        %add3A_148 = arith.addi %add3A_85, %add3A_147 : i32
        %get3A_149 = arith.constant 0 : i32
        %get3A_150 = arith.index_cast %get3A_149 : i32 to index
        %get3A_151 = arith.index_cast %add3A_146 : i32 to index
        %get3A_152 = tpu.vector_load %arg7[%get3A_150, %get3A_151] {strides = array<i32>} : memref<1x16384xf32, #tpu.memory_space<vmem>>, vector<16xf32>,
        %get3A_153 = arith.constant 0 : i32
        %get3A_154 = arith.index_cast %get3A_153 : i32 to index
        %get3A_155 = arith.index_cast %add3A_148 : i32 to index
        %get3A_156 = tpu.vector_load %arg7[%get3A_154, %get3A_155] {strides = array<i32>} : memref<1x16384xf32, #tpu.memory_space<vmem>>, vector<16xf32>,
        %mul3A_157 = arith.mulf %get3A_152, %get3A_89 : vector<16xf32>
        %mul3A_158 = arith.mulf %get3A_156, %get3A_93 : vector<16xf32>
        %sub3A_159 = arith.subf %mul3A_157, %mul3A_158 : vector<16xf32>
        %swap3A_160 = arith.constant 0 : i32
        %swap3A_161 = arith.index_cast %swap3A_160 : i32 to index
        %swap3A_162 = arith.index_cast %add3A_146 : i32 to index
        %swap3A_163 = tpu.vector_load %arg7[%swap3A_161, %swap3A_162] {strides = array<i32>} : memref<1x16384xf32, #tpu.memory_space<vmem>>, vector<16xf32>,
        tpu.vector_store %arg7[%swap3A_161, %swap3A_162], %sub3A_159 {strides = array<i32>} : memref<1x16384xf32, #tpu.memory_space<vmem>>, vector<16xf32>,
        %mul3A_164 = arith.mulf %get3A_156, %get3A_89 : vector<16xf32>
        %mul3A_165 = arith.mulf %get3A_152, %get3A_93 : vector<16xf32>
        %add3A_166 = arith.addf %mul3A_164, %mul3A_165 : vector<16xf32>
        %swap3A_167 = arith.constant 0 : i32
        %swap3A_168 = arith.index_cast %swap3A_167 : i32 to index
        %swap3A_169 = arith.index_cast %add3A_148 : i32 to index
        %swap3A_170 = tpu.vector_load %arg7[%swap3A_168, %swap3A_169] {strides = array<i32>} : memref<1x16384xf32, #tpu.memory_space<vmem>>, vector<16xf32>,
        tpu.vector_store %arg7[%swap3A_168, %swap3A_169], %add3A_166 {strides = array<i32>} : memref<1x16384xf32, #tpu.memory_space<vmem>>, vector<16xf32>,
        %add3A_171 = arith.constant 48 : i32
        %add3A_172 = arith.addi %mul3A_83, %add3A_171 : i32
        %add3A_173 = arith.constant 48 : i32
        %add3A_174 = arith.addi %add3A_85, %add3A_173 : i32
        %get3A_175 = arith.constant 0 : i32
        %get3A_176 = arith.index_cast %get3A_175 : i32 to index
        %get3A_177 = arith.index_cast %add3A_172 : i32 to index
        %get3A_178 = tpu.vector_load %arg7[%get3A_176, %get3A_177] {strides = array<i32>} : memref<1x16384xf32, #tpu.memory_space<vmem>>, vector<16xf32>,
        %get3A_179 = arith.constant 0 : i32
        %get3A_180 = arith.index_cast %get3A_179 : i32 to index
        %get3A_181 = arith.index_cast %add3A_174 : i32 to index
        %get3A_182 = tpu.vector_load %arg7[%get3A_180, %get3A_181] {strides = array<i32>} : memref<1x16384xf32, #tpu.memory_space<vmem>>, vector<16xf32>,
        %mul3A_183 = arith.mulf %get3A_178, %get3A_89 : vector<16xf32>
        %mul3A_184 = arith.mulf %get3A_182, %get3A_93 : vector<16xf32>
        %sub3A_185 = arith.subf %mul3A_183, %mul3A_184 : vector<16xf32>
        %swap3A_186 = arith.constant 0 : i32
        %swap3A_187 = arith.index_cast %swap3A_186 : i32 to index
        %swap3A_188 = arith.index_cast %add3A_172 : i32 to index
        %swap3A_189 = tpu.vector_load %arg7[%swap3A_187, %swap3A_188] {strides = array<i32>} : memref<1x16384xf32, #tpu.memory_space<vmem>>, vector<16xf32>,
        tpu.vector_store %arg7[%swap3A_187, %swap3A_188], %sub3A_185 {strides = array<i32>} : memref<1x16384xf32, #tpu.memory_space<vmem>>, vector<16xf32>,
        %mul3A_190 = arith.mulf %get3A_182, %get3A_89 : vector<16xf32>
        %mul3A_191 = arith.mulf %get3A_178, %get3A_93 : vector<16xf32>
        %add3A_192 = arith.addf %mul3A_190, %mul3A_191 : vector<16xf32>
        %swap3A_193 = arith.constant 0 : i32
        %swap3A_194 = arith.index_cast %swap3A_193 : i32 to index
        %swap3A_195 = arith.index_cast %add3A_174 : i32 to index
        %swap3A_196 = tpu.vector_load %arg7[%swap3A_194, %swap3A_195] {strides = array<i32>} : memref<1x16384xf32, #tpu.memory_space<vmem>>, vector<16xf32>,
        tpu.vector_store %arg7[%swap3A_194, %swap3A_195], %add3A_192 {strides = array<i32>} : memref<1x16384xf32, #tpu.memory_space<vmem>>, vector<16xf32>,
        %add3A_197 = arith.constant 64 : i32
        %add3A_198 = arith.addi %mul3A_83, %add3A_197 : i32
        %add3A_199 = arith.constant 64 : i32
        %add3A_200 = arith.addi %add3A_85, %add3A_199 : i32
        %get3A_201 = arith.constant 0 : i32
        %get3A_202 = arith.index_cast %get3A_201 : i32 to index
        %get3A_203 = arith.index_cast %add3A_198 : i32 to index
        %get3A_204 = tpu.vector_load %arg7[%get3A_202, %get3A_203] {strides = array<i32>} : memref<1x16384xf32, #tpu.memory_space<vmem>>, vector<16xf32>,
        %get3A_205 = arith.constant 0 : i32
        %get3A_206 = arith.index_cast %get3A_205 : i32 to index
        %get3A_207 = arith.index_cast %add3A_200 : i32 to index
        %get3A_208 = tpu.vector_load %arg7[%get3A_206, %get3A_207] {strides = array<i32>} : memref<1x16384xf32, #tpu.memory_space<vmem>>, vector<16xf32>,
        %mul3A_209 = arith.mulf %get3A_204, %get3A_89 : vector<16xf32>
        %mul3A_210 = arith.mulf %get3A_208, %get3A_93 : vector<16xf32>
        %sub3A_211 = arith.subf %mul3A_209, %mul3A_210 : vector<16xf32>
        %swap3A_212 = arith.constant 0 : i32
        %swap3A_213 = arith.index_cast %swap3A_212 : i32 to index
        %swap3A_214 = arith.index_cast %add3A_198 : i32 to index
        %swap3A_215 = tpu.vector_load %arg7[%swap3A_213, %swap3A_214] {strides = array<i32>} : memref<1x16384xf32, #tpu.memory_space<vmem>>, vector<16xf32>,
        tpu.vector_store %arg7[%swap3A_213, %swap3A_214], %sub3A_211 {strides = array<i32>} : memref<1x16384xf32, #tpu.memory_space<vmem>>, vector<16xf32>,
        %mul3A_216 = arith.mulf %get3A_208, %get3A_89 : vector<16xf32>
        %mul3A_217 = arith.mulf %get3A_204, %get3A_93 : vector<16xf32>
        %add3A_218 = arith.addf %mul3A_216, %mul3A_217 : vector<16xf32>
        %swap3A_219 = arith.constant 0 : i32
        %swap3A_220 = arith.index_cast %swap3A_219 : i32 to index
        %swap3A_221 = arith.index_cast %add3A_200 : i32 to index
        %swap3A_222 = tpu.vector_load %arg7[%swap3A_220, %swap3A_221] {strides = array<i32>} : memref<1x16384xf32, #tpu.memory_space<vmem>>, vector<16xf32>,
        tpu.vector_store %arg7[%swap3A_220, %swap3A_221], %add3A_218 {strides = array<i32>} : memref<1x16384xf32, #tpu.memory_space<vmem>>, vector<16xf32>,
        %add3A_223 = arith.constant 80 : i32
        %add3A_224 = arith.addi %mul3A_83, %add3A_223 : i32
        %add3A_225 = arith.constant 80 : i32
        %add3A_226 = arith.addi %add3A_85, %add3A_225 : i32
        %get3A_227 = arith.constant 0 : i32
        %get3A_228 = arith.index_cast %get3A_227 : i32 to index
        %get3A_229 = arith.index_cast %add3A_224 : i32 to index
        %get3A_230 = tpu.vector_load %arg7[%get3A_228, %get3A_229] {strides = array<i32>} : memref<1x16384xf32, #tpu.memory_space<vmem>>, vector<16xf32>,
        %get3A_231 = arith.constant 0 : i32
        %get3A_232 = arith.index_cast %get3A_231 : i32 to index
        %get3A_233 = arith.index_cast %add3A_226 : i32 to index
        %get3A_234 = tpu.vector_load %arg7[%get3A_232, %get3A_233] {strides = array<i32>} : memref<1x16384xf32, #tpu.memory_space<vmem>>, vector<16xf32>,
        %mul3A_235 = arith.mulf %get3A_230, %get3A_89 : vector<16xf32>
        %mul3A_236 = arith.mulf %get3A_234, %get3A_93 : vector<16xf32>
        %sub3A_237 = arith.subf %mul3A_235, %mul3A_236 : vector<16xf32>
        %swap3A_238 = arith.constant 0 : i32
        %swap3A_239 = arith.index_cast %swap3A_238 : i32 to index
        %swap3A_240 = arith.index_cast %add3A_224 : i32 to index
        %swap3A_241 = tpu.vector_load %arg7[%swap3A_239, %swap3A_240] {strides = array<i32>} : memref<1x16384xf32, #tpu.memory_space<vmem>>, vector<16xf32>,
        tpu.vector_store %arg7[%swap3A_239, %swap3A_240], %sub3A_237 {strides = array<i32>} : memref<1x16384xf32, #tpu.memory_space<vmem>>, vector<16xf32>,
        %mul3A_242 = arith.mulf %get3A_234, %get3A_89 : vector<16xf32>
        %mul3A_243 = arith.mulf %get3A_230, %get3A_93 : vector<16xf32>
        %add3A_244 = arith.addf %mul3A_242, %mul3A_243 : vector<16xf32>
        %swap3A_245 = arith.constant 0 : i32
        %swap3A_246 = arith.index_cast %swap3A_245 : i32 to index
        %swap3A_247 = arith.index_cast %add3A_226 : i32 to index
        %swap3A_248 = tpu.vector_load %arg7[%swap3A_246, %swap3A_247] {strides = array<i32>} : memref<1x16384xf32, #tpu.memory_space<vmem>>, vector<16xf32>,
        tpu.vector_store %arg7[%swap3A_246, %swap3A_247], %add3A_244 {strides = array<i32>} : memref<1x16384xf32, #tpu.memory_space<vmem>>, vector<16xf32>,
        %add3A_249 = arith.constant 96 : i32
        %add3A_250 = arith.addi %mul3A_83, %add3A_249 : i32
        %add3A_251 = arith.constant 96 : i32
        %add3A_252 = arith.addi %add3A_85, %add3A_251 : i32
        %get3A_253 = arith.constant 0 : i32
        %get3A_254 = arith.index_cast %get3A_253 : i32 to index
        %get3A_255 = arith.index_cast %add3A_250 : i32 to index
        %get3A_256 = tpu.vector_load %arg7[%get3A_254, %get3A_255] {strides = array<i32>} : memref<1x16384xf32, #tpu.memory_space<vmem>>, vector<16xf32>,
        %get3A_257 = arith.constant 0 : i32
        %get3A_258 = arith.index_cast %get3A_257 : i32 to index
        %get3A_259 = arith.index_cast %add3A_252 : i32 to index
        %get3A_260 = tpu.vector_load %arg7[%get3A_258, %get3A_259] {strides = array<i32>} : memref<1x16384xf32, #tpu.memory_space<vmem>>, vector<16xf32>,
        %mul3A_261 = arith.mulf %get3A_256, %get3A_89 : vector<16xf32>
        %mul3A_262 = arith.mulf %get3A_260, %get3A_93 : vector<16xf32>
        %sub3A_263 = arith.subf %mul3A_261, %mul3A_262 : vector<16xf32>
        %swap3A_264 = arith.constant 0 : i32
        %swap3A_265 = arith.index_cast %swap3A_264 : i32 to index
        %swap3A_266 = arith.index_cast %add3A_250 : i32 to index
        %swap3A_267 = tpu.vector_load %arg7[%swap3A_265, %swap3A_266] {strides = array<i32>} : memref<1x16384xf32, #tpu.memory_space<vmem>>, vector<16xf32>,
        tpu.vector_store %arg7[%swap3A_265, %swap3A_266], %sub3A_263 {strides = array<i32>} : memref<1x16384xf32, #tpu.memory_space<vmem>>, vector<16xf32>,
        %mul3A_268 = arith.mulf %get3A_260, %get3A_89 : vector<16xf32>
        %mul3A_269 = arith.mulf %get3A_256, %get3A_93 : vector<16xf32>
        %add3A_270 = arith.addf %mul3A_268, %mul3A_269 : vector<16xf32>
        %swap3A_271 = arith.constant 0 : i32
        %swap3A_272 = arith.index_cast %swap3A_271 : i32 to index
        %swap3A_273 = arith.index_cast %add3A_252 : i32 to index
        %swap3A_274 = tpu.vector_load %arg7[%swap3A_272, %swap3A_273] {strides = array<i32>} : memref<1x16384xf32, #tpu.memory_space<vmem>>, vector<16xf32>,
        tpu.vector_store %arg7[%swap3A_272, %swap3A_273], %add3A_270 {strides = array<i32>} : memref<1x16384xf32, #tpu.memory_space<vmem>>, vector<16xf32>,
        %add3A_275 = arith.constant 112 : i32
        %add3A_276 = arith.addi %mul3A_83, %add3A_275 : i32
        %add3A_277 = arith.constant 112 : i32
        %add3A_278 = arith.addi %add3A_85, %add3A_277 : i32
        %get3A_279 = arith.constant 0 : i32
        %get3A_280 = arith.index_cast %get3A_279 : i32 to index
        %get3A_281 = arith.index_cast %add3A_276 : i32 to index
        %get3A_282 = tpu.vector_load %arg7[%get3A_280, %get3A_281] {strides = array<i32>} : memref<1x16384xf32, #tpu.memory_space<vmem>>, vector<16xf32>,
        %get3A_283 = arith.constant 0 : i32
        %get3A_284 = arith.index_cast %get3A_283 : i32 to index
        %get3A_285 = arith.index_cast %add3A_278 : i32 to index
        %get3A_286 = tpu.vector_load %arg7[%get3A_284, %get3A_285] {strides = array<i32>} : memref<1x16384xf32, #tpu.memory_space<vmem>>, vector<16xf32>,
        %mul3A_287 = arith.mulf %get3A_282, %get3A_89 : vector<16xf32>
        %mul3A_288 = arith.mulf %get3A_286, %get3A_93 : vector<16xf32>
        %sub3A_289 = arith.subf %mul3A_287, %mul3A_288 : vector<16xf32>
        %swap3A_290 = arith.constant 0 : i32
        %swap3A_291 = arith.index_cast %swap3A_290 : i32 to index
        %swap3A_292 = arith.index_cast %add3A_276 : i32 to index
        %swap3A_293 = tpu.vector_load %arg7[%swap3A_291, %swap3A_292] {strides = array<i32>} : memref<1x16384xf32, #tpu.memory_space<vmem>>, vector<16xf32>,
        tpu.vector_store %arg7[%swap3A_291, %swap3A_292], %sub3A_289 {strides = array<i32>} : memref<1x16384xf32, #tpu.memory_space<vmem>>, vector<16xf32>,
        %mul3A_294 = arith.mulf %get3A_286, %get3A_89 : vector<16xf32>
        %mul3A_295 = arith.mulf %get3A_282, %get3A_93 : vector<16xf32>
        %add3A_296 = arith.addf %mul3A_294, %mul3A_295 : vector<16xf32>
        %swap3A_297 = arith.constant 0 : i32
        %swap3A_298 = arith.index_cast %swap3A_297 : i32 to index
        %swap3A_299 = arith.index_cast %add3A_278 : i32 to index
        %swap3A_300 = tpu.vector_load %arg7[%swap3A_298, %swap3A_299] {strides = array<i32>} : memref<1x16384xf32, #tpu.memory_space<vmem>>, vector<16xf32>,
        tpu.vector_store %arg7[%swap3A_298, %swap3A_299], %add3A_296 {strides = array<i32>} : memref<1x16384xf32, #tpu.memory_space<vmem>>, vector<16xf32>,
      }
      %scan3A_48 = arith.constant 64 : i32
      %dma_start3A_49 = arith.constant 0 : i32
      %dma_start3A_50 = tpu.memref_slice %arg2[%reduce_max3A_32, %dma_start3A_49] : memref<2048x16384xf32, #tpu.memory_space<hbm>> -> memref<1x16384xf32, #tpu.memory_space<hbm>>
      %dma_start3A_51 = arith.constant 0 : i32
      %dma_start3A_52 = tpu.memref_slice %arg2[%reduce_max3A_32, %dma_start3A_51] : memref<2048x16384xf32, #tpu.memory_space<hbm>> -> memref<1x16384xf32, #tpu.memory_space<hbm>>
      tpu.enqueue_dma source(%arg7 : memref<1x16384xf32, #tpu.memory_space<vmem>>) target(%dma_start3A_52 : memref<1x16384xf32, #tpu.memory_space<hbm>>) target_semaphore(%arg11 : memref<!tpu.dma_semaphore, #tpu.memory_space<semaphore_mem>>)
      %dma_wait3A_53 = arith.constant 0 : i32
      %dma_wait3A_54 = tpu.memref_slice %arg2[%reduce_max3A_32, %dma_wait3A_53] : memref<2048x16384xf32, #tpu.memory_space<hbm>> -> memref<1x16384xf32, #tpu.memory_space<hbm>>
      %dma_wait3A_55 = arith.constant 0 : i32
      %dma_wait3A_56 = tpu.memref_slice %arg2[%reduce_max3A_32, %dma_wait3A_55] : memref<2048x16384xf32, #tpu.memory_space<hbm>> -> memref<1x16384xf32, #tpu.memory_space<hbm>>
      tpu.wait_dma2 semaphore(%arg11 : memref<!tpu.dma_semaphore, #tpu.memory_space<semaphore_mem>>) src(%arg7 : memref<1x16384xf32, #tpu.memory_space<vmem>>) dst(%dma_wait3A_56 : memref<1x16384xf32, #tpu.memory_space<hbm>>)
    } else {
    }
    return
  }
}

module attributes {stable_mosaic.version = 14 : i64} {
  func.func @_tables_body(%arg0: memref<64x1xi32, #tpu.memory_space<vmem>>, %arg1: memref<1x64xi32, #tpu.memory_space<vmem>>, %arg2: memref<1x64xi32, #tpu.memory_space<vmem>>, %arg3: memref<64x128xf32, #tpu.memory_space<vmem>>, %arg4: memref<64x128xf32, #tpu.memory_space<vmem>>, %arg5: memref<64x16xi32, #tpu.memory_space<vmem>>) attributes {dimension_semantics = [], scalar_prefetch = 0 : i64, scratch_operands = 0 : i64, tpu.core_type = #tpu.core_type<tc>} {
    %get3A = arith.constant 0 : index
    %get3A_0 = arith.constant 0 : index
    %get3A_1 = vector.load %arg0[%get3A, %get3A_0] : memref<64x1xi32, #tpu.memory_space<vmem>>, vector<64x1xi32>
    %get3A_2 = arith.constant 0 : index
    %get3A_3 = arith.constant 0 : index
    %get3A_4 = vector.load %arg1[%get3A_2, %get3A_3] : memref<1x64xi32, #tpu.memory_space<vmem>>, vector<1x64xi32>
    %get3A_5 = arith.constant 0 : index
    %get3A_6 = arith.constant 0 : index
    %get3A_7 = vector.load %arg2[%get3A_5, %get3A_6] : memref<1x64xi32, #tpu.memory_space<vmem>>, vector<1x64xi32>
    %eq3A = vector.broadcast %get3A_1 : vector<64x1xi32> to vector<64x64xi32>
    %eq3A_8 = vector.broadcast %get3A_4 : vector<1x64xi32> to vector<64x64xi32>
    %eq3A_9 = arith.cmpi eq, %eq3A, %eq3A_8 : vector<64x64xi32>
    %iota3A = tpu.iota {dimensions = array<i32: 1>} : vector<64x64xi32>
    %jit3A = arith.constant 64 : i32
    %broadcast_in_dim3A = vector.broadcast %jit3A : i32 to vector<64x64xi32>
    %select_n3A = arith.select %eq3A_9, %iota3A, %broadcast_in_dim3A : vector<64x64xi1>, vector<64x64xi32>
    %reduce_min3A = arith.constant dense<2147483647> : vector<64xi32>
    %reduce_min3A_10 = vector.multi_reduction <minsi>, %select_n3A, %reduce_min3A [1] : vector<64x64xi32> to vector<64xi32>
    %broadcast_in_dim3A_11 = vector.shape_cast %reduce_min3A_10 : vector<64xi32> to vector<64x1xi32>
    %iota3A_12 = tpu.iota {dimensions = array<i32: 0>} : vector<64x1xi32>
    %eq3A_13 = arith.cmpi eq, %broadcast_in_dim3A_11, %iota3A_12 : vector<64x1xi32>
    %convert_element_type3A = arith.sitofp %get3A_7 : vector<1x64xi32> to vector<1x64xf32>
    %sub3A = arith.constant 4.096000e+03 : f32
    %sub3A_14 = vector.broadcast %sub3A : f32 to vector<1x64xf32>
    %sub3A_15 = arith.subf %convert_element_type3A, %sub3A_14 : vector<1x64xf32>
    %max3A = arith.constant 0.000000e+00 : f32
    %max3A_16 = vector.broadcast %max3A : f32 to vector<1x64xf32>
    %max3A_17 = arith.maximumf %sub3A_15, %max3A_16 : vector<1x64xf32>
    %broadcast_in_dim3A_18 = vector.shape_cast %max3A_17 : vector<1x64xf32> to vector<1x64xf32>
    %broadcast_in_dim3A_19 = vector.broadcast %broadcast_in_dim3A_18 : vector<1x64xf32> to vector<64x64xf32>
    %jit3A_20 = arith.constant 0.000000e+00 : f32
    %broadcast_in_dim3A_21 = vector.broadcast %jit3A_20 : f32 to vector<64x64xf32>
    %select_n3A_22 = arith.select %eq3A_9, %broadcast_in_dim3A_19, %broadcast_in_dim3A_21 : vector<64x64xi1>, vector<64x64xf32>
    %reduce_sum3A = arith.constant dense<0.000000e+00> : vector<64xf32>
    %reduce_sum3A_23 = vector.multi_reduction <add>, %select_n3A_22, %reduce_sum3A [1] : vector<64x64xf32> to vector<64xf32>
    %broadcast_in_dim3A_24 = vector.shape_cast %reduce_sum3A_23 : vector<64xf32> to vector<64x1xf32>
    %iota3A_25 = tpu.iota {dimensions = array<i32: 1>} : vector<64x128xi32>
    %jit3A_26 = arith.constant 16 : i32
    %div3A = vector.broadcast %jit3A_26 : i32 to vector<64x128xi32>
    %div3A_27 = arith.divsi %iota3A_25, %div3A : vector<64x128xi32>
    %sign3A = arith.constant 0 : i32
    %sign3A_28 = vector.broadcast %sign3A : i32 to vector<64x128xi32>
    %sign3A_29 = arith.cmpi sgt, %iota3A_25, %sign3A_28 : vector<64x128xi32>
    %sign3A_30 = arith.extui %sign3A_29 : vector<64x128xi1> to vector<64x128xi32>
    %sign3A_31 = arith.constant 0 : i32
    %sign3A_32 = vector.broadcast %sign3A_31 : i32 to vector<64x128xi32>
    %sign3A_33 = arith.cmpi slt, %iota3A_25, %sign3A_32 : vector<64x128xi32>
    %sign3A_34 = arith.extui %sign3A_33 : vector<64x128xi1> to vector<64x128xi32>
    %sign3A_35 = arith.subi %sign3A_30, %sign3A_34 : vector<64x128xi32>
    %sign3A_36 = arith.constant 0 : i32
    %sign3A_37 = arith.cmpi sgt, %jit3A_26, %sign3A_36 : i32
    %sign3A_38 = arith.extui %sign3A_37 : i1 to i32
    %sign3A_39 = arith.constant 0 : i32
    %sign3A_40 = arith.cmpi slt, %jit3A_26, %sign3A_39 : i32
    %sign3A_41 = arith.extui %sign3A_40 : i1 to i32
    %sign3A_42 = arith.subi %sign3A_38, %sign3A_41 : i32
    %ne3A = vector.broadcast %sign3A_42 : i32 to vector<64x128xi32>
    %ne3A_43 = arith.cmpi ne, %sign3A_35, %ne3A : vector<64x128xi32>
    %rem3A = vector.broadcast %jit3A_26 : i32 to vector<64x128xi32>
    %rem3A_44 = arith.remsi %iota3A_25, %rem3A : vector<64x128xi32>
    %ne3A_45 = arith.constant 0 : i32
    %ne3A_46 = vector.broadcast %ne3A_45 : i32 to vector<64x128xi32>
    %ne3A_47 = arith.cmpi ne, %rem3A_44, %ne3A_46 : vector<64x128xi32>
    %and3A = arith.andi %ne3A_43, %ne3A_47 : vector<64x128xi1>
    %sub3A_48 = arith.constant 1 : i32
    %sub3A_49 = vector.broadcast %sub3A_48 : i32 to vector<64x128xi32>
    %sub3A_50 = arith.subi %div3A_27, %sub3A_49 : vector<64x128xi32>
    %select_n3A_51 = arith.select %and3A, %sub3A_50, %div3A_27 : vector<64x128xi1>, vector<64x128xi32>
    %mul3A = arith.constant 8 : i32
    %mul3A_52 = vector.broadcast %mul3A : i32 to vector<64x128xi32>
    %mul3A_53 = arith.muli %select_n3A_51, %mul3A_52 : vector<64x128xi32>
    %jit3A_54 = arith.constant 16 : i32
    %eq3A_55 = arith.constant 0 : i32
    %eq3A_56 = arith.cmpi eq, %jit3A_54, %eq3A_55 : i32
    %jit3A_57 = arith.constant 1 : i32
    %select_n3A_58 = arith.select %eq3A_56, %jit3A_57, %jit3A_54 : i32
    %rem3A_59 = vector.broadcast %select_n3A_58 : i32 to vector<64x128xi32>
    %rem3A_60 = arith.remsi %iota3A_25, %rem3A_59 : vector<64x128xi32>
    %ne3A_61 = arith.constant 0 : i32
    %ne3A_62 = vector.broadcast %ne3A_61 : i32 to vector<64x128xi32>
    %ne3A_63 = arith.cmpi ne, %rem3A_60, %ne3A_62 : vector<64x128xi32>
    %lt3A = arith.constant 0 : i32
    %lt3A_64 = vector.broadcast %lt3A : i32 to vector<64x128xi32>
    %lt3A_65 = arith.cmpi slt, %rem3A_60, %lt3A_64 : vector<64x128xi32>
    %lt3A_66 = arith.constant 0 : i32
    %lt3A_67 = arith.cmpi slt, %select_n3A_58, %lt3A_66 : i32
    %ne3A_68 = vector.broadcast %lt3A_67 : i1 to vector<64x128xi1>
    %ne3A_69 = vector.broadcast %ne3A_68 : vector<64x128xi1> to vector<64x128xi1>
    %ne3A_70 = arith.xori %lt3A_65, %ne3A_69 : vector<64x128xi1>
    %and3A_71 = arith.andi %ne3A_70, %ne3A_63 : vector<64x128xi1>
    %add3A = vector.broadcast %select_n3A_58 : i32 to vector<64x128xi32>
    %add3A_72 = arith.addi %rem3A_60, %add3A : vector<64x128xi32>
    %select_n3A_73 = arith.select %and3A_71, %add3A_72, %rem3A_60 : vector<64x128xi1>, vector<64x128xi32>
    %jit3A_74 = arith.constant 8 : i32
    %eq3A_75 = arith.constant 0 : i32
    %eq3A_76 = arith.cmpi eq, %jit3A_74, %eq3A_75 : i32
    %jit3A_77 = arith.constant 1 : i32
    %select_n3A_78 = arith.select %eq3A_76, %jit3A_77, %jit3A_74 : i32
    %rem3A_79 = vector.broadcast %select_n3A_78 : i32 to vector<64x128xi32>
    %rem3A_80 = arith.remsi %select_n3A_73, %rem3A_79 : vector<64x128xi32>
    %ne3A_81 = arith.constant 0 : i32
    %ne3A_82 = vector.broadcast %ne3A_81 : i32 to vector<64x128xi32>
    %ne3A_83 = arith.cmpi ne, %rem3A_80, %ne3A_82 : vector<64x128xi32>
    %lt3A_84 = arith.constant 0 : i32
    %lt3A_85 = vector.broadcast %lt3A_84 : i32 to vector<64x128xi32>
    %lt3A_86 = arith.cmpi slt, %rem3A_80, %lt3A_85 : vector<64x128xi32>
    %lt3A_87 = arith.constant 0 : i32
    %lt3A_88 = arith.cmpi slt, %select_n3A_78, %lt3A_87 : i32
    %ne3A_89 = vector.broadcast %lt3A_88 : i1 to vector<64x128xi1>
    %ne3A_90 = vector.broadcast %ne3A_89 : vector<64x128xi1> to vector<64x128xi1>
    %ne3A_91 = arith.xori %lt3A_86, %ne3A_90 : vector<64x128xi1>
    %and3A_92 = arith.andi %ne3A_91, %ne3A_83 : vector<64x128xi1>
    %add3A_93 = vector.broadcast %select_n3A_78 : i32 to vector<64x128xi32>
    %add3A_94 = arith.addi %rem3A_80, %add3A_93 : vector<64x128xi32>
    %select_n3A_95 = arith.select %and3A_92, %add3A_94, %rem3A_80 : vector<64x128xi1>, vector<64x128xi32>
    %add3A_96 = arith.addi %mul3A_53, %select_n3A_95 : vector<64x128xi32>
    %convert_element_type3A_97 = arith.sitofp %add3A_96 : vector<64x128xi32> to vector<64x128xf32>
    %mul3A_98 = arith.constant -0.14391157 : f32
    %mul3A_99 = vector.broadcast %mul3A_98 : f32 to vector<64x128xf32>
    %mul3A_100 = arith.mulf %convert_element_type3A_97, %mul3A_99 : vector<64x128xf32>
    %exp3A = math.exp %mul3A_100 : vector<64x128xf32>
    %mul3A_101 = vector.broadcast %broadcast_in_dim3A_24 : vector<64x1xf32> to vector<64x128xf32>
    %mul3A_102 = arith.mulf %mul3A_101, %exp3A : vector<64x128xf32>
    %cos3A = math.cos %mul3A_102 : vector<64x128xf32>
    %swap3A = arith.constant 0 : index
    %swap3A_103 = arith.constant 0 : index
    %swap3A_104 = vector.load %arg3[%swap3A, %swap3A_103] : memref<64x128xf32, #tpu.memory_space<vmem>>, vector<64x128xf32>
    tpu.vector_store %arg3[%swap3A, %swap3A_103], %cos3A {strides = array<i32>} : memref<64x128xf32, #tpu.memory_space<vmem>>, vector<64x128xf32>,
    %sin3A = math.sin %mul3A_102 : vector<64x128xf32>
    %swap3A_105 = arith.constant 0 : index
    %swap3A_106 = arith.constant 0 : index
    %swap3A_107 = vector.load %arg4[%swap3A_105, %swap3A_106] : memref<64x128xf32, #tpu.memory_space<vmem>>, vector<64x128xf32>
    tpu.vector_store %arg4[%swap3A_105, %swap3A_106], %sin3A {strides = array<i32>} : memref<64x128xf32, #tpu.memory_space<vmem>>, vector<64x128xf32>,
    %gt3A = arith.constant 0.000000e+00 : f32
    %gt3A_108 = vector.broadcast %gt3A : f32 to vector<64x1xf32>
    %gt3A_109 = arith.cmpf ogt, %broadcast_in_dim3A_24, %gt3A_108 : vector<64x1xf32>
    %and3A_110 = arith.andi %eq3A_13, %gt3A_109 : vector<64x1xi1>
    %jit3A_111 = arith.constant -1 : i32
    %broadcast_in_dim3A_112 = vector.broadcast %jit3A_111 : i32 to vector<64x1xi32>
    %select_n3A_113 = arith.select %and3A_110, %get3A_1, %broadcast_in_dim3A_112 : vector<64x1xi1>, vector<64x1xi32>
    %broadcast_in_dim3A_114 = vector.shape_cast %select_n3A_113 : vector<64x1xi32> to vector<64x1xi32>
    %broadcast_in_dim3A_115 = vector.broadcast %broadcast_in_dim3A_114 : vector<64x1xi32> to vector<64x16xi32>
    %swap3A_116 = arith.constant 0 : index
    %swap3A_117 = arith.constant 0 : index
    %swap3A_118 = vector.load %arg5[%swap3A_116, %swap3A_117] : memref<64x16xi32, #tpu.memory_space<vmem>>, vector<64x16xi32>
    tpu.vector_store %arg5[%swap3A_116, %swap3A_117], %broadcast_in_dim3A_115 {strides = array<i32>} : memref<64x16xi32, #tpu.memory_space<vmem>>, vector<64x16xi32>,
    return
  }
}

</mosaic_0001>

<sc_bundles>
// kernel: kernel.4.cloned.1.call-start
scs
__scs_entry_jumppad:
0x0: {  	(pc) =	sbr.rel $0x88, $3  }
0x1: {  	(tag) =	ssettag $0x0;
	lr =	simm.s32 $0x1  }
0x2: {  	[smem:$0x3F9E] =	sst lr;
	_ =	strace $0xD0000000  }
0x3: {  	_ = 	snop  }
0x4: {  	_ = 	snop  }
0x5: {  	_ = 	snop  }
0x6: {  	_ = 	snop  }
0x7: {  	_ = 	snop  }
__scs_overlays_trampoline_lowered:
0x8: {  	[smem:$0x3FAD] =	sst s0  }
0x9: {  	[smem:$0x3FAE] =	sst s1  }
0xa: {  	[smem:$0x3FAF] =	sst s2  }
0xb: {  	[smem:$0x3FB0] =	sst s3  }
0xc: {  	[smem:$0x3FB1] =	sst s4  }
0xd: {  	[smem:$0x3FB2] =	sst s5  }
0xe: {  	[smem:$0x3FB3] =	sst s6  }
0xf: {  	[smem:$0x3FB4] =	sst s7  }
0x10: {  	[smem:$0x3FB5] =	sst s8  }
0x11: {  	[smem:$0x3FB6] =	sst s9;
	s0 =	simm.s32 @!p0 $0x0  }
0x12: {  	s1 =	sld [smem:$0x3F9C];
	s0 =	simm.s32 @p0 $0x1  }
0x13: {  	[smem:$0x3FB7] =	sst s0;
	s0 =	simm.s32 @!p1 $0x0  }
0x14: {  	s2 =	sld [smem:$0x3F9B];
	s0 =	simm.s32 @p1 $0x1  }
0x15: {  	[smem:$0x3FB8] =	sst s0;
	s0 =	simm.s32 @!p2 $0x0  }
0x16: {  	s3 =	sld [smem:$0x3FDB];
	s0 =	simm.s32 @p2 $0x1  }
0x17: {  	s4 =	simm.s32 $0x1BF5;
	[smem:$0x3FBA] =	sst s0  }
0x18: {  	s0 =	sld [smem:$0x3F9D];
	_ =	swait.ge [sflag:s4], $0x0  }
0x19: {  	s7 =	sld [smem:$0x3F9E]  }
0x1a: {  	s8 =	sadd.s32 $0xFFFFE003, lr  }
0x1b: {  	s9 =	sadd.s32 $0xFFFFFEF7, lr;
	s5 =	simm.s32 $0xFFFFFFFF;
	p2 =	slt.u32 s8, $0xFFFFF086  }
0x1c: {  	p1 =	slt.u32 s9, $0xF7A;
	s5 =	simm.s32 @!p2 $0x0  }
0x1d: {  	s5 =	simm.s32 @p1 $0x1;
	p0 =	seq.s32 s7, s2  }
0x1e: {  	s7 =	smul.u32 @!p0 $0xF7A, s2;
	p2 =	seq.s32 @!p0 s5, $0x0  }
0x1f: {  	s9 =	smul.u32 $0xF7A, s1;
	s8 =	simm.s32 @!p0 $0x1BF5;
	p2 =	por !p2, p0  }
0x20: {  	[sflag:s8] =	ssyncset.s32 @!p0 $0xFFFFF086;
	s6 =	sadd.s32 @!p0 s3, s7;
	s7 =	simm.s32 @!p0 $0x108  }
0x21: {  	s3 =	sadd.s32 s3, s9;
	s6 =	sadd.s32 @!p0 $0x88, s6;
	s7 =	simm.s32 @p2 $0x1082  }
0x22: {  	[simem:s7], [sflag:s8] =	dma.local @!p0 [hbm:s6], $0xF7A  }
0x23: {  	s9 =	sor.u32 $0xD0000000, s2;
	s6 =	simm.s32 $0x108;
	_ =	swait.ge @!p0 [sflag:s8], $0x0  }
0x24: {  	s3 =	sadd.s32 $0x88, s3;
	s6 =	simm.s32 @!p1 $0x1082;
	[sflag:s4] =	ssyncset.s32 $0xFFFFF086  }
0x25: {  	[simem:s6], [sflag:s4] =	dma.local [hbm:s3], $0xF7A  }
0x26: {  	[smem:$0x3F9E] =	sst s1;
	(tag) =	ssettag s2;
	_ =	strace s9  }
0x27: {  	s1 =	sld [smem:$0x3FAE]  }
0x28: {  	s2 =	sld [smem:$0x3FAF]  }
0x29: {  	s4 =	sld [smem:$0x3FB1]  }
0x2a: {  	p0 =	seq.s32 s5, $0x0;
	s5 =	sld [smem:$0x3FB2]  }
0x2b: {  	s6 =	sld [smem:$0x3FB3]  }
0x2c: {  	s7 =	sld [smem:$0x3FB4]  }
0x2d: {  	s3 =	simm.s32 $0x108;
	s8 =	sld [smem:$0x3FB5]  }
0x2e: {  	s3 =	simm.s32 @!p0 $0x1082;
	s9 =	sld [smem:$0x3FB6]  }
0x2f: {  	lr =	sadd.s32 s0, s3;
	s0 =	sld [smem:$0x3FAD]  }
0x30: {  	s3 =	sld [smem:$0x3FB0]  }
0x31: {  	[smem:$0x3FB9] =	sst s10  }
0x32: {  	s10 =	sld [smem:$0x3FB7];
	_ =	sdelay $0x3  }
0x33: {  	p0 =	seq.s32 s10, $0x1;
	s10 =	sld [smem:$0x3FB9];
	_ =	sdelay $0x3  }
0x34: {  	[smem:$0x3FB9] =	sst s10  }
0x35: {  	s10 =	sld [smem:$0x3FB8];
	_ =	sdelay $0x3  }
0x36: {  	p1 =	seq.s32 s10, $0x1;
	s10 =	sld [smem:$0x3FB9];
	_ =	sdelay $0x3  }
0x37: {  	[smem:$0x3FB9] =	sst s10  }
0x38: {  	s10 =	sld [smem:$0x3FBA]  }
0x39: {  	_ = 	snop;
	(pc) =	sbr.ind lr, $3  }
0x3a: {  	_ = 	snop  }
0x3b: {  	_ = 	snop  }
0x3c: {  	p2 =	seq.s32 s10, $0x1;
	s10 =	sld [smem:$0x3FB9]  }
0x3d: {  	_ =	shalt  }
0x3e: {  	_ =	shalt  }
0x3f: {  	_ =	shalt  }
0x40: {  	_ =	shalt  }
0x41: {  	_ =	shalt  }
0x42: {  	_ =	shalt  }
0x43: {  	_ =	shalt  }
0x44: {  	_ =	shalt  }
0x45: {  	_ =	shalt  }
0x46: {  	_ =	shalt  }
0x47: {  	_ =	shalt  }
0x48: {  	_ =	shalt  }
0x49: {  	_ =	shalt  }
0x4a: {  	_ =	shalt  }
0x4b: {  	_ =	shalt  }
0x4c: {  	_ =	shalt  }
0x4d: {  	_ =	shalt  }
0x4e: {  	_ =	shalt  }
0x4f: {  	_ =	shalt  }
0x50: {  	_ =	shalt  }
0x51: {  	_ =	shalt  }
0x52: {  	_ =	shalt  }
0x53: {  	_ =	shalt  }
0x54: {  	_ =	shalt  }
0x55: {  	_ =	shalt  }
0x56: {  	_ =	shalt  }
0x57: {  	_ =	shalt  }
0x58: {  	_ =	shalt  }
0x59: {  	_ =	shalt  }
0x5a: {  	_ =	shalt  }
0x5b: {  	_ =	shalt  }
0x5c: {  	_ =	shalt  }
0x5d: {  	_ =	shalt  }
0x5e: {  	_ =	shalt  }
0x5f: {  	_ =	shalt  }
0x60: {  	_ =	shalt  }
0x61: {  	_ =	shalt  }
0x62: {  	_ =	shalt  }
0x63: {  	_ =	shalt  }
0x64: {  	_ =	shalt  }
0x65: {  	_ =	shalt  }
0x66: {  	_ =	shalt  }
0x67: {  	_ =	shalt  }
0x68: {  	_ =	shalt  }
0x69: {  	_ =	shalt  }
0x6a: {  	_ =	shalt  }
0x6b: {  	_ =	shalt  }
0x6c: {  	_ =	shalt  }
0x6d: {  	_ =	shalt  }
0x6e: {  	_ =	shalt  }
0x6f: {  	_ =	shalt  }
0x70: {  	_ =	shalt  }
0x71: {  	_ =	shalt  }
0x72: {  	_ =	shalt  }
0x73: {  	_ =	shalt  }
0x74: {  	_ =	shalt  }
0x75: {  	_ =	shalt  }
0x76: {  	_ =	shalt  }
0x77: {  	_ =	shalt  }
0x78: {  	_ =	shalt  }
0x79: {  	_ =	shalt  }
0x7a: {  	_ =	shalt  }
0x7b: {  	_ =	shalt  }
0x7c: {  	_ =	shalt  }
0x7d: {  	_ =	shalt  }
0x7e: {  	_ =	shalt  }
0x7f: {  	_ =	shalt  }
0x80: {  	_ =	shalt  }
0x81: {  	_ =	shalt  }
0x82: {  	_ =	shalt  }
0x83: {  	_ =	shalt  }
0x84: {  	_ =	shalt  }
0x85: {  	_ =	shalt  }
0x86: {  	_ =	shalt  }
0x87: {  	_ =	shalt  }
.Lfunc_end0:
.L_simem_size_0:
called_computation_lowered:
.L_overlay_start_0:
0x88: {  	s2 =	sld [smem:$0x3FD9]  }
0x89: {  	s3 =	sld [smem:$0x3FFE];
	_ =	sdelay $0x1  }
0x8a: {  	s1 =	srdreg.scid  }
0x8b: {  	s0 =	sand.u32 $0x1, s1  }
0x8c: {  	s17 =	sshll.u32 s0, $0xA;
	s2 =	sadd.s32 s3, s2  }
0x8d: {  	s2 =	sadd.s32 s2, s17  }
0x8e: {  	[smem:$0x3FC5] =	sst s2  }
0x8f: {  	_ = 	snop  }
0x90: {  	s2 =	sld [smem:$0x3FD0];
	(tm) =	ssettm $0x1  }
0x91: {  	s18 =	sld [smem:$0x3FFB];
	_ =	sdelay $0x3  }
0x92: {  	_ =	strace s18  }
0x93: {  	s3 =	sld [smem:$0x3FFC];
	_ =	sdelay $0x3  }
0x94: {  	_ =	strace s3  }
0x95: {  	s3 =	sld [smem:$0x3FFD];
	_ =	sdelay $0x3  }
0x96: {  	_ =	strace s3  }
0x97: {  	_ =	strace $0x8FFFFFFF  }
0x98: {  	s19 =	sld [smem:$0x3FDB];
	_ =	sdelay $0x1  }
0x99: {  	s4 =	simm.s32 $_scs_section_size  }
0x9a: {  	s5 =	simm.s32 $_size__tile_overlayer_lowered;
	s6 =	simm.s32 $_tile_overlayer_lowered  }
0x9b: {  	s22 =	simm.s32 $0x1BFF;
	s21 =	sshll.u32 s6, $0x1;
	s3 =	sadd.s32 s4, s19  }
0x9c: {  	s7 =	simm.s32 $0x0;
	s20 =	sshll.u32 s5, $0x1;
	s5 =	sadd.s32 s21, s3  }
0x9d: {  	[timem:s7], [sflag:s22] =	dma.local [hbm:s5], s20  }
0x9e: {  	_ =	swait.ge [sflag:s22], s20  }
0x9f: {  	s4 =	ssub.s32 $0x0, s20;
	[sflag:s22] =	ssyncset.done $0x0  }
0xa0: {  	[sflag:s22] =	ssyncadd.s32 s4;
	_ =	sdelay $0x1  }
0xa1: {  	s23 =	simm.s32 $0x1B8B  }
0xa2: {  	_ =	swait.ge [sflag:s23], $0x1  }
0xa3: {  	[sflag:s23] =	ssyncset.done $0x0  }
0xa4: {  	s25 =	simm.s32 $0x1B8E;
	s24 =	sld [smem:$0x3FFE];
	[sflag:s23] =	ssyncadd.s32 $0xFFFFFFFF  }
0xa5: {  	s26 =	simm.s32 $execute0_lowered;
	[smem:$0x3FD2] =	sst s25  }
0xa6: {  	s5 =	sshll.u32 s26, $0x1;
	_ =	strace $0x80000046;
	[dreg:$0x1] =	wrdreg $0xFFFFFFFF  }
0xa7: {  	s28 =	simm.s32 $_size_execute0_lowered;
	s3 =	sadd.s32 s3, s5;
	[dreg:$0x0] =	wrdreg $0x0  }
0xa8: {  	s5 =	sshll.u32 s28, $0x1;
	[dreg:$0x2] =	wrdreg s3  }
0xa9: {  	[dreg:$0x3] =	wrdreg s5  }
0xaa: {  	[dreg:$0x4] =	wrdreg $0xC0  }
0xab: {  	_ =	task [dreg:s7], $0x5FFFF  }
0xac: {  	[dreg:$0x1] =	wrdreg $0xFFFFFFFF  }
0xad: {  	[dreg:$0x0] =	wrdreg $0x60  }
0xae: {  	[dreg:$0x2] =	wrdreg s24  }
0xaf: {  	[dreg:$0x3] =	wrdreg s2  }
0xb0: {  	[dreg:$0x4] =	wrdreg $0x9  }
0xb1: {  	_ =	task.clear_ibuf [dreg:s7], $0x5FFFF;
	_ =	strace $0x90000046  }
0xb2: {  	s29 =	simm.s32 $0x9;
	_ =	strace $0x80000048  }
0xb3: {  	_ =	swait.ge [sflag:s29], $0x1  }
0xb4: {  	[sflag:s29] =	ssyncadd.s32 $0xFFFFFFFF  }
0xb5: {  	_ =	strace $0x90000048  }
0xb6: {  	_ =	sfence  }
0xb7: {  	s30 =	sld [smem:$0x0];
	_ =	sdelay $0x2  }
0xb8: {  	s31 =	sshll.u32 s1, $0xD;
	s1 =	sshrl.u32 s1, $0x2  }
0xb9: {  	s3 =	sand.u32 $0x4000, s31;
	s1 =	sadd.s32 s1, s30  }
0xba: {  	s0 =	sor.u32 s3, s0;
	s1 =	sshll.u32 s1, $0x11  }
0xbb: {  	s0 =	sor.u32 s1, s0  }
0xbc: {  	s0 =	sadd.s32 $0x8F2B, s0  }
0xbd: {  	[sflag:s0] =	ssyncadd.remote.s32 $0x1  }
0xbe: {  	_ =	sfence.sel $0xFFFF  }
0xbf: {  	[dreg:$0x0] =	wrdreg $0xFFFFFFFF;
	(pc) =	sbr.abs _section_cstart, $3  }
0xc0: {  	[dreg:$0x1] =	wrdreg $0xFFFFFFFF  }
0xc1: {  	_ =	task.clear_ibuf [dreg:s7], $0x2FFFF;
	_ =	strace $0x9FFFFFFF  }
0xc2: {  	(tm) =	ssettm $0x7FFFFFFF  }
0xc3: {  	_ =	shalt  }
tec
execute0_lowered:
.L_overlay_start_1:
0x0: {  	(tag) =	ssettag $0x1  }
0x1: {  	s4 =	rddreg [dreg:$0x0]  }
0x2: {  	s8 =	rddreg [dreg:$0x1]  }
0x3: {  	s0 =	rddreg [dreg:$0x2];
	s1 =	simm.s32 $0x0;
	s5 =	srdreg.scid  }
0x4: {  	s2 =	stileid.u32;
	s13 =	simm.s32 $0x80;
	s14 =	simm.s32 $0x400  }
0x5: {  	s15 =	simm.s32 $0x1;
	s16 =	simm.s32 $0x4000;
	s17 =	simm.s32 $0x4080  }
0x6: {  	s18 =	simm.s32 $0x0;
	[smem:$0x7FF] =	sst s1;
	s3 =	sadd.s32 $0xC00, s4  }
0x7: {  	s5 =	sand.u32 $0x1, s5;
	s7 =	sshll.u32 s2, $0x6;
	s9 =	sadd.s32 $0x401000, s4  }
0x8: {  	s11 =	sadd.s32 $0x400C00, s4;
	s6 =	ssub.s32 $0x2, s5;
	s5 =	sshll.u32 s5, $0x5  }
.Ltmp0:
0x9: {  	s10 =	sshrl.u32 s6, $0x1;
	s7 =	sor.u32 s5, s7;
	(pc) =	sbr.rel .LBB2_1-.Ltmp0, $4  }
0xa: {  	_ =	strace $0x80000047;
	s10 =	ssub.s32 s6, s10;
	s4 =	sadd.s32 s9, s7  }
0xb: {  	s5 =	sadd.s32 s8, s7;
	s6 =	sadd.s32 s11, s7;
	s12 =	sor.u32 $0x10, s7  }
0xc: {  	s7 =	sadd.s32 s9, s12;
	s8 =	sadd.s32 s8, s12;
	s9 =	sadd.s32 s11, s12  }
0xd: {  	s10 =	smax.u32 s10, $0x1;
	s11 =	simm.s32 $0x4100;
	s12 =	simm.s32 $0x2  }
.LBB2_9:
0xe: {  	s18 =	sadd.s32 $0x1, s18  }
0xf: {  	p0 =	sne.s32 s18, s10  }
.Ltmp1:
0x10: {  	_ = 	snop;
	(pc) =	sbr.rel @!p0 .LBB2_10-.Ltmp1, $1  }
0x11: {  	_ =	sdelay $0x3  }
.LBB2_1:
0x12: {  	[tilespmem:s11], [sflag:$0x2] =	stream.linear.gather [hbm4b:s4+s1], $0x80, $0x38;
	[tilespmem:$0x4180] =	vst v63  }
0x13: {  	_ =	swait.ge [sflag:s12], $0x80  }
0x14: {  	[sflag:s12] =	ssyncset.done $0x0  }
0x15: {  	[sflag:s12] =	ssyncadd.s32 $0xFFFFFF80  }
0x16: {  	v0 =	vld [tilespmem:$0x4100];
	_ =	sdelay $0x4  }
0x17: {  	v0 =	vxor.u32 $0x80000000, v0  }
0x18: {  	(xrf0) =	vmax.scan.msk.u32 $0xffff, v0;
	_ =	sdelay $0x5  }
0x19: {  	v0, _, _ =	vpop (xrf0)  }
0x1a: {  	(v2sf) =	vpush v0, $0xF;
	_ =	sdelay $0xe  }
0x1b: {  	s19 =	spop (v2sf)  }
0x1c: {  	p0 =	sgt.s32 s19, $0xFFFFFFFF  }
.Ltmp2:
0x1d: {  	_ = 	snop;
	(pc) =	sbr.rel @p0 .LBB2_5-.Ltmp2, $1  }
0x1e: {  	_ =	sdelay $0x3  }
0x1f: {  	s20 =	sshll.u32 s19, $0xE;
	s28 =	sshll.u32 s19, $0x7  }
0x20: {  	s20 =	sand.u32 $0xFFFE0000, s20;
	s19 =	sand.u32 $0x380, s28  }
0x21: {  	s19 =	sor.u32 s19, s20  }
0x22: {  	s19 =	sshrl.u32 s19, $0x3  }
0x23: {  	s29 =	simm.s32 $0x0;
	s19 =	sadd.s32 s3, s19  }
0x24: {  	[tilespmem:s29], [sflag:$0x1] =	stream.strided.gather [hbm4b:s19+s13], $0x4000, s14, s13, $0x38;
	[tilespmem:$0x4180] =	vst v63  }
0x25: {  	_ =	swait.ge [sflag:s15], $0x4000  }
0x26: {  	[sflag:s15] =	ssyncset.done $0x0  }
0x27: {  	[sflag:s15] =	ssyncadd.s32 $0xFFFFC000  }
0x28: {  	[tilespmem:s16], [sflag:$0x2] =	stream.linear.gather [hbm4b:s5+s29], $0x80, $0x38;
	[tilespmem:$0x4180] =	vst v63  }
0x29: {  	_ =	swait.ge [sflag:s12], $0x80  }
0x2a: {  	[sflag:s12] =	ssyncset.done $0x0  }
0x2b: {  	[sflag:s12] =	ssyncadd.s32 $0xFFFFFF80  }
0x2c: {  	[tilespmem:s17], [sflag:$0x2] =	stream.linear.gather [hbm4b:s6+s29], $0x80, $0x38;
	[tilespmem:$0x4180] =	vst v63  }
0x2d: {  	s21 =	sand.u32 $0x7, s29;
	_ =	swait.ge [sflag:s12], $0x80  }
0x2e: {  	s20 =	sand.u32 $0x3800, s29;
	s22 =	sshll.u32 s21, $0x7;
	[sflag:s12] =	ssyncset.done $0x0  }
0x2f: {  	s20 =	sor.u32 s22, s20;
	[sflag:s12] =	ssyncadd.s32 $0xFFFFFF80  }
0x30: {  	v0 =	vld [tilespmem:s20+$0x70]  }
0x31: {  	v7 =	vld [tilespmem:s20+$0x40]  }
0x32: {  	v5 =	vld [tilespmem:s20+$0x20]  }
0x33: {  	v15 =	vld [tilespmem:s20+$0x430]  }
0x34: {  	v9 =	vld [tilespmem:s20+$0x0]  }
0x35: {  	s21 =	sshll.u32 s21, $0x4;
	v17 =	vld [tilespmem:s20+$0x440]  }
0x36: {  	v3 =	vld [tilespmem:s21+$0x4000]  }
0x37: {  	v2 =	vld [tilespmem:s21+$0x4080]  }
0x38: {  	v13 =	vld [tilespmem:s20+$0x470]  }
0x39: {  	v11 =	vld [tilespmem:s20+$0x410]  }
0x3a: {  	v12 =	vld [tilespmem:s20+$0x10]  }
0x3b: {  	v10 =	vld [tilespmem:s20+$0x60];
	v4 =	vmul.f32 v5, v3;
	v14 =	vmul.f32 v0, v3  }
0x3c: {  	v8 =	vld [tilespmem:s20+$0x30];
	v18 =	vmul.f32 v9, v3;
	v19 =	vmul.f32 v17, v2  }
0x3d: {  	v16 =	vld [tilespmem:s20+$0x460];
	v20 =	vmul.f32 v15, v3;
	v21 =	vmul.f32 v13, v2  }
0x3e: {  	v22 =	vld [tilespmem:s20+$0x400];
	v23 =	vmul.f32 v9, v2;
	v24 =	vmul.f32 v11, v3  }
0x3f: {  	v1 =	vld [tilespmem:s20+$0x420];
	v25 =	vmul.f32 v5, v2;
	v26 =	vmul.f32 v7, v3  }
0x40: {  	v6 =	vld [tilespmem:s20+$0x50];
	v58 =	vmul.f32 v12, v2;
	v5 =	vmul.f32 v10, v3;
	v14 =	vsub.f32 v14, v21  }
0x41: {  	v9 =	vld [tilespmem:s20+$0x450];
	v27 =	vmul.f32 v8, v2;
	v59 =	vmul.f32 v10, v2;
	v19 =	vsub.f32 v26, v19  }
0x42: {  	v10 =	vmul.f32 v7, v2;
	v7 =	vmul.f32 v16, v3;
	[tilespmem:s20+$0x70] =	vst v14;
	v14 =	vadd.f32 v24, v58  }
0x43: {  	v60 =	vmul.f32 v22, v3;
	v22 =	vmul.f32 v22, v2;
	v20 =	vadd.f32 v20, v27;
	[tilespmem:s20+$0x40] =	vst v19  }
0x44: {  	s30 =	simm.s32 $0x1;
	v62 =	vmul.f32 v11, v2;
	v7 =	vadd.f32 v7, v59;
	[tilespmem:s20+$0x410] =	vst v14;
	v14 =	vmul.f32 v1, v3  }
0x45: {  	s23 =	sand.u32 $0x7, s30;
	s22 =	simm.s32 $0x100;
	v63 =	vmul.f32 v12, v3;
	v12 =	vmul.f32 v16, v2;
	v21 =	vadd.f32 v60, v23;
	[tilespmem:s20+$0x430] =	vst v20  }
0x46: {  	s24 =	sshll.u32 s23, $0x7;
	s31 =	sand.u32 $0x3800, s22;
	v19 =	vmul.f32 v6, v2;
	[tilespmem:s20+$0x460] =	vst v7;
	v61 =	vmul.f32 v9, v3;
	v25 =	vadd.f32 v14, v25  }
0x47: {  	s21 =	sor.u32 s24, s31;
	v13 =	vmul.f32 v13, v3;
	v15 =	vmul.f32 v15, v2;
	v11 =	vsub.f32 v18, v22;
	[tilespmem:s20+$0x400] =	vst v21  }
0x48: {  	s23 =	sshll.u32 s23, $0x4;
	s24 =	simm.s32 $0x2;
	v17 =	vmul.f32 v17, v3;
	v16 =	vsub.f32 v63, v62;
	v7 =	vld [tilespmem:s21+$0x70];
	v14 =	vadd.f32 v61, v19;
	[tilespmem:s20+$0x420] =	vst v25  }
.LBB2_3:
0x49: {  	p0 =	sne.s32 s24, $0x3F  }
0x4a: {  	v18 =	vld [tilespmem:s21+$0x40];
	s22 =	sadd.s32 $0x100, s22;
	v1 =	vmul.f32 v1, v2;
	v8 =	vmul.f32 v8, v3;
	[tilespmem:s20+$0x450] =	vst v14;
	s25 =	smov.u32 s24;
	s24 =	sadd.s32 $0x1, s24  }
0x4b: {  	v3 =	vmul.f32 v6, v3;
	v6 =	vmul.f32 v9, v2;
	[tilespmem:s20+$0x10] =	vst v16;
	v10 =	vadd.f32 v17, v10  }
0x4c: {  	v2 =	vmul.f32 v0, v2;
	v4 =	vsub.f32 v4, v1;
	v8 =	vsub.f32 v8, v15  }
0x4d: {  	v3 =	vsub.f32 v3, v6;
	[tilespmem:s20+$0x440] =	vst v10  }
0x4e: {  	v1 =	vld [tilespmem:s21+$0x420];
	[tilespmem:s20+$0x30] =	vst v8;
	v0 =	vmov v7  }
0x4f: {  	v7 =	vld [tilespmem:s21+$0x410];
	[tilespmem:s20+$0x20] =	vst v4  }
0x50: {  	v2 =	vadd.f32 v13, v2;
	v9 =	vld [tilespmem:s21+$0x20];
	[tilespmem:s20+$0x50] =	vst v3;
	v3 =	vsub.f32 v5, v12  }
0x51: {  	v15 =	vld [tilespmem:s21+$0x430];
	[tilespmem:s20+$0x0] =	vst v11  }
0x52: {  	v5 =	vld [tilespmem:s21+$0x0];
	[tilespmem:s20+$0x60] =	vst v3  }
0x53: {  	v17 =	vld [tilespmem:s21+$0x440];
	[tilespmem:s20+$0x470] =	vst v2;
	s20 =	smov.u32 s21  }
0x54: {  	v3 =	vld [tilespmem:s23+$0x4000]  }
0x55: {  	v2 =	vld [tilespmem:s23+$0x4080]  }
0x56: {  	v13 =	vld [tilespmem:s20+$0x470]  }
0x57: {  	v11 =	vld [tilespmem:s20+$0x10]  }
0x58: {  	v12 =	vld [tilespmem:s20+$0x460]  }
0x59: {  	v4 =	vmul.f32 v9, v3;
	v10 =	vld [tilespmem:s20+$0x60];
	v14 =	vmul.f32 v0, v3  }
0x5a: {  	v16 =	vmul.f32 v5, v3;
	v8 =	vld [tilespmem:s20+$0x30];
	v19 =	vmul.f32 v17, v2  }
0x5b: {  	s21 =	sand.u32 $0x7, s25;
	v20 =	vmul.f32 v15, v3;
	v6 =	vld [tilespmem:s20+$0x50];
	v21 =	vmul.f32 v13, v2  }
0x5c: {  	s25 =	sand.u32 $0x3800, s22;
	s23 =	sshll.u32 s21, $0x4;
	s21 =	sshll.u32 s21, $0x7;
	v24 =	vmul.f32 v7, v3;
	v23 =	vmul.f32 v5, v2;
	v22 =	vld [tilespmem:s20+$0x400]  }
0x5d: {  	s21 =	sor.u32 s21, s25;
	v26 =	vmul.f32 v18, v3;
	v25 =	vmul.f32 v9, v2;
	v9 =	vld [tilespmem:s20+$0x450];
	v14 =	vsub.f32 v14, v21  }
0x5e: {  	v21 =	vmul.f32 v11, v2;
	v5 =	vmul.f32 v10, v3  }
0x5f: {  	v19 =	vsub.f32 v26, v19;
	v26 =	vmul.f32 v10, v2;
	v27 =	vmul.f32 v8, v2;
	[tilespmem:s20+$0x70] =	vst v14  }
0x60: {  	v10 =	vmul.f32 v18, v2;
	v18 =	vmul.f32 v12, v3;
	v14 =	vadd.f32 v24, v21  }
0x61: {  	v21 =	vmul.f32 v22, v3;
	v20 =	vadd.f32 v20, v27;
	[tilespmem:s20+$0x40] =	vst v19;
	v19 =	vmul.f32 v6, v2  }
.Ltmp3:
0x62: {  	v18 =	vadd.f32 v18, v26;
	[tilespmem:s20+$0x410] =	vst v14;
	v14 =	vmul.f32 v1, v3;
	v24 =	vmul.f32 v9, v3;
	(pc) =	sbr.rel @p0 .LBB2_3-.Ltmp3, $4  }
0x63: {  	v22 =	vmul.f32 v22, v2;
	v21 =	vadd.f32 v21, v23;
	v23 =	vmul.f32 v7, v2;
	[tilespmem:s20+$0x430] =	vst v20  }
0x64: {  	v20 =	vmul.f32 v11, v3;
	v25 =	vadd.f32 v14, v25;
	v14 =	vadd.f32 v24, v19;
	[tilespmem:s20+$0x460] =	vst v18  }
0x65: {  	v13 =	vmul.f32 v13, v3;
	v12 =	vmul.f32 v12, v2;
	v11 =	vsub.f32 v16, v22;
	[tilespmem:s20+$0x400] =	vst v21  }
0x66: {  	v15 =	vmul.f32 v15, v2;
	v17 =	vmul.f32 v17, v3;
	v16 =	vsub.f32 v20, v23;
	v7 =	vld [tilespmem:s21+$0x70];
	[tilespmem:s20+$0x420] =	vst v25  }
0x67: {  	_ = 	snop  }
0x68: {  	v8 =	vmul.f32 v8, v3;
	[tilespmem:s20+$0x450] =	vst v14;
	v10 =	vadd.f32 v17, v10  }
0x69: {  	v18 =	vld [tilespmem:s21+$0x40];
	v1 =	vmul.f32 v1, v2;
	v31 =	vsub.f32 v5, v12;
	[tilespmem:s20+$0x10] =	vst v16  }
0x6a: {  	v0 =	vmul.f32 v0, v2;
	v42 =	vld [tilespmem:s21+$0x400];
	v8 =	vsub.f32 v8, v15;
	[tilespmem:s20+$0x440] =	vst v10  }
0x6b: {  	v27 =	vmul.f32 v6, v3;
	v28 =	vmul.f32 v9, v2;
	v1 =	vsub.f32 v4, v1;
	[tilespmem:s20+$0x60] =	vst v31;
	v30 =	vld [tilespmem:s21+$0x410]  }
0x6c: {  	v0 =	vadd.f32 v13, v0;
	[tilespmem:s20+$0x30] =	vst v8;
	v32 =	vld [tilespmem:s21+$0x430]  }
0x6d: {  	v3 =	vsub.f32 v27, v28;
	[tilespmem:s20+$0x20] =	vst v1;
	v33 =	vld [tilespmem:s21+$0x440]  }
0x6e: {  	[tilespmem:s20+$0x470] =	vst v0;
	v1 =	vld [tilespmem:s21+$0x20]  }
0x6f: {  	[tilespmem:s20+$0x50] =	vst v3;
	v35 =	vld [tilespmem:s21+$0x470]  }
0x70: {  	[tilespmem:s20+$0x0] =	vst v11;
	v37 =	vld [tilespmem:s21+$0x460]  }
0x71: {  	v0 =	vld [tilespmem:s23+$0x4000]  }
0x72: {  	v8 =	vld [tilespmem:s23+$0x4080]  }
0x73: {  	v36 =	vld [tilespmem:s21+$0x10]  }
0x74: {  	v38 =	vld [tilespmem:s21+$0x30]  }
0x75: {  	v39 =	vld [tilespmem:s21+$0x60]  }
0x76: {  	v34 =	vld [tilespmem:s21+$0x0];
	v40 =	vmul.f32 v7, v0  }
0x77: {  	v29 =	vld [tilespmem:s21+$0x420];
	v41 =	vmul.f32 v35, v8;
	v43 =	vmul.f32 v33, v8  }
0x78: {  	v19 =	vld [tilespmem:s21+$0x50];
	v20 =	vmul.f32 v18, v0;
	v21 =	vmul.f32 v30, v0  }
0x79: {  	v22 =	vld [tilespmem:s21+$0x450];
	v44 =	vmul.f32 v36, v8;
	v23 =	vmul.f32 v32, v0  }
0x7a: {  	v24 =	vmul.f32 v38, v8;
	v45 =	vmul.f32 v39, v8;
	v14 =	vsub.f32 v40, v41  }
0x7b: {  	v47 =	vmul.f32 v37, v0;
	v48 =	vmul.f32 v34, v8;
	v17 =	vsub.f32 v20, v43  }
0x7c: {  	v25 =	vmul.f32 v42, v0;
	v49 =	vmul.f32 v1, v8;
	v46 =	vadd.f32 v21, v44;
	[tilespmem:s21+$0x70] =	vst v14  }
0x7d: {  	v50 =	vmul.f32 v29, v0;
	v51 =	vmul.f32 v19, v8;
	v23 =	vadd.f32 v23, v24;
	[tilespmem:s21+$0x40] =	vst v17  }
0x7e: {  	v52 =	vmul.f32 v22, v0;
	v2 =	vmul.f32 v30, v8;
	v15 =	vadd.f32 v47, v45;
	[tilespmem:s21+$0x410] =	vst v46  }
0x7f: {  	v10 =	vmul.f32 v36, v0;
	v53 =	vmul.f32 v18, v8;
	v21 =	vadd.f32 v25, v48;
	[tilespmem:s21+$0x430] =	vst v23  }
0x80: {  	v3 =	vmul.f32 v33, v0;
	v5 =	vmul.f32 v32, v8;
	v54 =	vadd.f32 v52, v51;
	[tilespmem:s21+$0x460] =	vst v15  }
0x81: {  	v55 =	vmul.f32 v38, v0;
	v1 =	vmul.f32 v1, v0;
	v2 =	vsub.f32 v10, v2;
	[tilespmem:s21+$0x400] =	vst v21  }
0x82: {  	v4 =	vmul.f32 v29, v8;
	v56 =	vmul.f32 v19, v0;
	v3 =	vadd.f32 v3, v53;
	[tilespmem:s21+$0x450] =	vst v54  }
0x83: {  	v6 =	vmul.f32 v34, v0;
	v58 =	vmul.f32 v42, v8;
	v5 =	vsub.f32 v55, v5;
	[tilespmem:s21+$0x10] =	vst v2  }
0x84: {  	v59 =	vmul.f32 v39, v0;
	v60 =	vmul.f32 v37, v8;
	v1 =	vsub.f32 v1, v4;
	[tilespmem:s21+$0x440] =	vst v3  }
0x85: {  	v0 =	vmul.f32 v35, v0;
	v62 =	vmul.f32 v7, v8;
	v61 =	vsub.f32 v6, v58;
	[tilespmem:s21+$0x30] =	vst v5  }
0x86: {  	v63 =	vsub.f32 v59, v60;
	[tilespmem:s21+$0x20] =	vst v1  }
0x87: {  	v57 =	vmul.f32 v22, v8;
	v0 =	vadd.f32 v0, v62;
	[tilespmem:s21+$0x0] =	vst v61  }
0x88: {  	v14 =	vadd.f32 v50, v49;
	[tilespmem:s21+$0x60] =	vst v63  }
0x89: {  	v2 =	vsub.f32 v56, v57;
	[tilespmem:s21+$0x470] =	vst v0  }
0x8a: {  	[tilespmem:s21+$0x420] =	vst v14  }
0x8b: {  	[tilespmem:s21+$0x50] =	vst v2  }
0x8c: {  	[hbm4b:s19+s13] =	stream.strided.scatter [tilespmem:s1], [sflag:$0x1], $0x4000, s14, s13, $0x38;
	[tilespmem:$0x4180] =	vst v63  }
0x8d: {  	_ =	swait.ge [sflag:s15], $0x4000  }
0x8e: {  	[sflag:s15] =	ssyncset.done $0x0  }
0x8f: {  	[sflag:s15] =	ssyncadd.s32 $0xFFFFC000  }
.LBB2_5:
0x90: {  	[tilespmem:s11], [sflag:$0x2] =	stream.linear.gather [hbm4b:s7+s1], $0x80, $0x38;
	[tilespmem:$0x4180] =	vst v63  }
0x91: {  	_ =	swait.ge [sflag:s12], $0x80  }
0x92: {  	[sflag:s12] =	ssyncset.done $0x0  }
0x93: {  	[sflag:s12] =	ssyncadd.s32 $0xFFFFFF80  }
0x94: {  	v0 =	vld [tilespmem:$0x4100];
	_ =	sdelay $0x4  }
0x95: {  	v0 =	vxor.u32 $0x80000000, v0  }
0x96: {  	(xrf0) =	vmax.scan.msk.u32 $0xffff, v0;
	_ =	sdelay $0x5  }
0x97: {  	v0, _, _ =	vpop (xrf0)  }
0x98: {  	(v2sf) =	vpush v0, $0xF;
	_ =	sdelay $0xe  }
0x99: {  	s19 =	spop (v2sf)  }
0x9a: {  	p0 =	sgt.s32 s19, $0xFFFFFFFF  }
.Ltmp4:
0x9b: {  	_ = 	snop;
	(pc) =	sbr.rel @p0 .LBB2_9-.Ltmp4, $1  }
0x9c: {  	_ =	sdelay $0x3  }
0x9d: {  	s20 =	sshll.u32 s19, $0xE;
	s28 =	sshll.u32 s19, $0x7  }
0x9e: {  	s20 =	sand.u32 $0xFFFE0000, s20;
	s19 =	sand.u32 $0x380, s28  }
0x9f: {  	s19 =	sor.u32 s19, s20  }
0xa0: {  	s19 =	sshrl.u32 s19, $0x3  }
0xa1: {  	s29 =	simm.s32 $0x0;
	s19 =	sadd.s32 s3, s19  }
0xa2: {  	[tilespmem:s29], [sflag:$0x1] =	stream.strided.gather [hbm4b:s19+s13], $0x4000, s14, s13, $0x38;
	[tilespmem:$0x4180] =	vst v63  }
0xa3: {  	_ =	swait.ge [sflag:s15], $0x4000  }
0xa4: {  	[sflag:s15] =	ssyncset.done $0x0  }
0xa5: {  	[sflag:s15] =	ssyncadd.s32 $0xFFFFC000  }
0xa6: {  	[tilespmem:s16], [sflag:$0x2] =	stream.linear.gather [hbm4b:s8+s29], $0x80, $0x38;
	[tilespmem:$0x4180] =	vst v63  }
0xa7: {  	_ =	swait.ge [sflag:s12], $0x80  }
0xa8: {  	[sflag:s12] =	ssyncset.done $0x0  }
0xa9: {  	[sflag:s12] =	ssyncadd.s32 $0xFFFFFF80  }
0xaa: {  	[tilespmem:s17], [sflag:$0x2] =	stream.linear.gather [hbm4b:s9+s29], $0x80, $0x38;
	[tilespmem:$0x4180] =	vst v63  }
0xab: {  	s21 =	sand.u32 $0x7, s29;
	_ =	swait.ge [sflag:s12], $0x80  }
0xac: {  	s20 =	sand.u32 $0x3800, s29;
	s22 =	sshll.u32 s21, $0x7;
	[sflag:s12] =	ssyncset.done $0x0  }
0xad: {  	s20 =	sor.u32 s22, s20;
	[sflag:s12] =	ssyncadd.s32 $0xFFFFFF80  }
0xae: {  	v0 =	vld [tilespmem:s20+$0x70]  }
0xaf: {  	v7 =	vld [tilespmem:s20+$0x40]  }
0xb0: {  	v5 =	vld [tilespmem:s20+$0x20]  }
0xb1: {  	v15 =	vld [tilespmem:s20+$0x430]  }
0xb2: {  	v9 =	vld [tilespmem:s20+$0x0]  }
0xb3: {  	s21 =	sshll.u32 s21, $0x4;
	v17 =	vld [tilespmem:s20+$0x440]  }
0xb4: {  	v3 =	vld [tilespmem:s21+$0x4000]  }
0xb5: {  	v2 =	vld [tilespmem:s21+$0x4080]  }
0xb6: {  	v13 =	vld [tilespmem:s20+$0x470]  }
0xb7: {  	v11 =	vld [tilespmem:s20+$0x410]  }
0xb8: {  	v12 =	vld [tilespmem:s20+$0x10]  }
0xb9: {  	v10 =	vld [tilespmem:s20+$0x60];
	v4 =	vmul.f32 v5, v3;
	v14 =	vmul.f32 v0, v3  }
0xba: {  	v8 =	vld [tilespmem:s20+$0x30];
	v18 =	vmul.f32 v9, v3;
	v19 =	vmul.f32 v17, v2  }
0xbb: {  	v16 =	vld [tilespmem:s20+$0x460];
	v20 =	vmul.f32 v15, v3;
	v21 =	vmul.f32 v13, v2  }
0xbc: {  	v22 =	vld [tilespmem:s20+$0x400];
	v23 =	vmul.f32 v9, v2;
	v24 =	vmul.f32 v11, v3  }
0xbd: {  	v1 =	vld [tilespmem:s20+$0x420];
	v25 =	vmul.f32 v5, v2;
	v26 =	vmul.f32 v7, v3  }
0xbe: {  	v6 =	vld [tilespmem:s20+$0x50];
	v58 =	vmul.f32 v12, v2;
	v5 =	vmul.f32 v10, v3;
	v14 =	vsub.f32 v14, v21  }
0xbf: {  	v9 =	vld [tilespmem:s20+$0x450];
	v27 =	vmul.f32 v8, v2;
	v59 =	vmul.f32 v10, v2;
	v19 =	vsub.f32 v26, v19  }
0xc0: {  	v10 =	vmul.f32 v7, v2;
	v7 =	vmul.f32 v16, v3;
	[tilespmem:s20+$0x70] =	vst v14;
	v14 =	vadd.f32 v24, v58  }
0xc1: {  	v60 =	vmul.f32 v22, v3;
	v22 =	vmul.f32 v22, v2;
	v20 =	vadd.f32 v20, v27;
	[tilespmem:s20+$0x40] =	vst v19  }
0xc2: {  	s30 =	simm.s32 $0x1;
	v62 =	vmul.f32 v11, v2;
	v7 =	vadd.f32 v7, v59;
	[tilespmem:s20+$0x410] =	vst v14;
	v14 =	vmul.f32 v1, v3  }
0xc3: {  	s23 =	sand.u32 $0x7, s30;
	s22 =	simm.s32 $0x100;
	v63 =	vmul.f32 v12, v3;
	v12 =	vmul.f32 v16, v2;
	v21 =	vadd.f32 v60, v23;
	[tilespmem:s20+$0x430] =	vst v20  }
0xc4: {  	s24 =	sshll.u32 s23, $0x7;
	s31 =	sand.u32 $0x3800, s22;
	v19 =	vmul.f32 v6, v2;
	[tilespmem:s20+$0x460] =	vst v7;
	v61 =	vmul.f32 v9, v3;
	v25 =	vadd.f32 v14, v25  }
0xc5: {  	s21 =	sor.u32 s24, s31;
	v13 =	vmul.f32 v13, v3;
	v15 =	vmul.f32 v15, v2;
	v11 =	vsub.f32 v18, v22;
	[tilespmem:s20+$0x400] =	vst v21  }
0xc6: {  	s23 =	sshll.u32 s23, $0x4;
	s24 =	simm.s32 $0x2;
	v17 =	vmul.f32 v17, v3;
	v16 =	vsub.f32 v63, v62;
	v7 =	vld [tilespmem:s21+$0x70];
	v14 =	vadd.f32 v61, v19;
	[tilespmem:s20+$0x420] =	vst v25  }
.LBB2_7:
0xc7: {  	p0 =	sne.s32 s24, $0x3F  }
0xc8: {  	v18 =	vld [tilespmem:s21+$0x40];
	s22 =	sadd.s32 $0x100, s22;
	v1 =	vmul.f32 v1, v2;
	v8 =	vmul.f32 v8, v3;
	[tilespmem:s20+$0x450] =	vst v14;
	s25 =	smov.u32 s24;
	s24 =	sadd.s32 $0x1, s24  }
0xc9: {  	v3 =	vmul.f32 v6, v3;
	v6 =	vmul.f32 v9, v2;
	[tilespmem:s20+$0x10] =	vst v16;
	v10 =	vadd.f32 v17, v10  }
0xca: {  	v2 =	vmul.f32 v0, v2;
	v4 =	vsub.f32 v4, v1;
	v8 =	vsub.f32 v8, v15  }
0xcb: {  	v3 =	vsub.f32 v3, v6;
	[tilespmem:s20+$0x440] =	vst v10  }
0xcc: {  	v1 =	vld [tilespmem:s21+$0x420];
	[tilespmem:s20+$0x30] =	vst v8;
	v0 =	vmov v7  }
0xcd: {  	v7 =	vld [tilespmem:s21+$0x410];
	[tilespmem:s20+$0x20] =	vst v4  }
0xce: {  	v2 =	vadd.f32 v13, v2;
	v9 =	vld [tilespmem:s21+$0x20];
	[tilespmem:s20+$0x50] =	vst v3;
	v3 =	vsub.f32 v5, v12  }
0xcf: {  	v15 =	vld [tilespmem:s21+$0x430];
	[tilespmem:s20+$0x0] =	vst v11  }
0xd0: {  	v5 =	vld [tilespmem:s21+$0x0];
	[tilespmem:s20+$0x60] =	vst v3  }
0xd1: {  	v17 =	vld [tilespmem:s21+$0x440];
	[tilespmem:s20+$0x470] =	vst v2;
	s20 =	smov.u32 s21  }
0xd2: {  	v3 =	vld [tilespmem:s23+$0x4000]  }
0xd3: {  	v2 =	vld [tilespmem:s23+$0x4080]  }
0xd4: {  	v13 =	vld [tilespmem:s20+$0x470]  }
0xd5: {  	v11 =	vld [tilespmem:s20+$0x10]  }
0xd6: {  	v12 =	vld [tilespmem:s20+$0x460]  }
0xd7: {  	v4 =	vmul.f32 v9, v3;
	v10 =	vld [tilespmem:s20+$0x60];
	v14 =	vmul.f32 v0, v3  }
0xd8: {  	v16 =	vmul.f32 v5, v3;
	v8 =	vld [tilespmem:s20+$0x30];
	v19 =	vmul.f32 v17, v2  }
0xd9: {  	s21 =	sand.u32 $0x7, s25;
	v20 =	vmul.f32 v15, v3;
	v6 =	vld [tilespmem:s20+$0x50];
	v21 =	vmul.f32 v13, v2  }
0xda: {  	s25 =	sand.u32 $0x3800, s22;
	s23 =	sshll.u32 s21, $0x4;
	s21 =	sshll.u32 s21, $0x7;
	v24 =	vmul.f32 v7, v3;
	v23 =	vmul.f32 v5, v2;
	v22 =	vld [tilespmem:s20+$0x400]  }
0xdb: {  	s21 =	sor.u32 s21, s25;
	v26 =	vmul.f32 v18, v3;
	v25 =	vmul.f32 v9, v2;
	v9 =	vld [tilespmem:s20+$0x450];
	v14 =	vsub.f32 v14, v21  }
0xdc: {  	v21 =	vmul.f32 v11, v2;
	v5 =	vmul.f32 v10, v3  }
0xdd: {  	v19 =	vsub.f32 v26, v19;
	v26 =	vmul.f32 v10, v2;
	v27 =	vmul.f32 v8, v2;
	[tilespmem:s20+$0x70] =	vst v14  }
0xde: {  	v10 =	vmul.f32 v18, v2;
	v18 =	vmul.f32 v12, v3;
	v14 =	vadd.f32 v24, v21  }
0xdf: {  	v21 =	vmul.f32 v22, v3;
	v20 =	vadd.f32 v20, v27;
	[tilespmem:s20+$0x40] =	vst v19;
	v19 =	vmul.f32 v6, v2  }
.Ltmp5:
0xe0: {  	v18 =	vadd.f32 v18, v26;
	[tilespmem:s20+$0x410] =	vst v14;
	v14 =	vmul.f32 v1, v3;
	v24 =	vmul.f32 v9, v3;
	(pc) =	sbr.rel @p0 .LBB2_7-.Ltmp5, $4  }
0xe1: {  	v22 =	vmul.f32 v22, v2;
	v21 =	vadd.f32 v21, v23;
	v23 =	vmul.f32 v7, v2;
	[tilespmem:s20+$0x430] =	vst v20  }
0xe2: {  	v20 =	vmul.f32 v11, v3;
	v25 =	vadd.f32 v14, v25;
	v14 =	vadd.f32 v24, v19;
	[tilespmem:s20+$0x460] =	vst v18  }
0xe3: {  	v13 =	vmul.f32 v13, v3;
	v12 =	vmul.f32 v12, v2;
	v11 =	vsub.f32 v16, v22;
	[tilespmem:s20+$0x400] =	vst v21  }
0xe4: {  	v15 =	vmul.f32 v15, v2;
	v17 =	vmul.f32 v17, v3;
	v16 =	vsub.f32 v20, v23;
	v7 =	vld [tilespmem:s21+$0x70];
	[tilespmem:s20+$0x420] =	vst v25  }
0xe5: {  	_ = 	snop  }
0xe6: {  	v8 =	vmul.f32 v8, v3;
	[tilespmem:s20+$0x450] =	vst v14;
	v10 =	vadd.f32 v17, v10  }
0xe7: {  	v18 =	vld [tilespmem:s21+$0x40];
	v1 =	vmul.f32 v1, v2;
	v31 =	vsub.f32 v5, v12;
	[tilespmem:s20+$0x10] =	vst v16  }
0xe8: {  	v0 =	vmul.f32 v0, v2;
	v42 =	vld [tilespmem:s21+$0x400];
	v8 =	vsub.f32 v8, v15;
	[tilespmem:s20+$0x440] =	vst v10  }
0xe9: {  	v27 =	vmul.f32 v6, v3;
	v28 =	vmul.f32 v9, v2;
	v1 =	vsub.f32 v4, v1;
	[tilespmem:s20+$0x60] =	vst v31;
	v30 =	vld [tilespmem:s21+$0x410]  }
0xea: {  	v0 =	vadd.f32 v13, v0;
	[tilespmem:s20+$0x30] =	vst v8;
	v32 =	vld [tilespmem:s21+$0x430]  }
0xeb: {  	v3 =	vsub.f32 v27, v28;
	[tilespmem:s20+$0x20] =	vst v1;
	v33 =	vld [tilespmem:s21+$0x440]  }
0xec: {  	[tilespmem:s20+$0x470] =	vst v0;
	v1 =	vld [tilespmem:s21+$0x20]  }
0xed: {  	[tilespmem:s20+$0x50] =	vst v3;
	v35 =	vld [tilespmem:s21+$0x470]  }
0xee: {  	[tilespmem:s20+$0x0] =	vst v11;
	v37 =	vld [tilespmem:s21+$0x460]  }
0xef: {  	v0 =	vld [tilespmem:s23+$0x4000]  }
0xf0: {  	v8 =	vld [tilespmem:s23+$0x4080]  }
0xf1: {  	v36 =	vld [tilespmem:s21+$0x10]  }
0xf2: {  	v38 =	vld [tilespmem:s21+$0x30]  }
0xf3: {  	v39 =	vld [tilespmem:s21+$0x60]  }
0xf4: {  	v34 =	vld [tilespmem:s21+$0x0];
	v40 =	vmul.f32 v7, v0  }
0xf5: {  	v29 =	vld [tilespmem:s21+$0x420];
	v41 =	vmul.f32 v35, v8;
	v43 =	vmul.f32 v33, v8  }
0xf6: {  	v19 =	vld [tilespmem:s21+$0x50];
	v20 =	vmul.f32 v18, v0;
	v21 =	vmul.f32 v30, v0  }
0xf7: {  	v22 =	vld [tilespmem:s21+$0x450];
	v44 =	vmul.f32 v36, v8;
	v23 =	vmul.f32 v32, v0  }
0xf8: {  	v24 =	vmul.f32 v38, v8;
	v45 =	vmul.f32 v39, v8;
	v14 =	vsub.f32 v40, v41  }
0xf9: {  	v47 =	vmul.f32 v37, v0;
	v48 =	vmul.f32 v34, v8;
	v17 =	vsub.f32 v20, v43  }
0xfa: {  	v25 =	vmul.f32 v42, v0;
	v49 =	vmul.f32 v1, v8;
	v46 =	vadd.f32 v21, v44;
	[tilespmem:s21+$0x70] =	vst v14  }
0xfb: {  	v50 =	vmul.f32 v29, v0;
	v51 =	vmul.f32 v19, v8;
	v23 =	vadd.f32 v23, v24;
	[tilespmem:s21+$0x40] =	vst v17  }
0xfc: {  	v52 =	vmul.f32 v22, v0;
	v2 =	vmul.f32 v30, v8;
	v15 =	vadd.f32 v47, v45;
	[tilespmem:s21+$0x410] =	vst v46  }
0xfd: {  	v10 =	vmul.f32 v36, v0;
	v53 =	vmul.f32 v18, v8;
	v21 =	vadd.f32 v25, v48;
	[tilespmem:s21+$0x430] =	vst v23  }
0xfe: {  	v3 =	vmul.f32 v33, v0;
	v5 =	vmul.f32 v32, v8;
	v54 =	vadd.f32 v52, v51;
	[tilespmem:s21+$0x460] =	vst v15  }
0xff: {  	v55 =	vmul.f32 v38, v0;
	v1 =	vmul.f32 v1, v0;
	v2 =	vsub.f32 v10, v2;
	[tilespmem:s21+$0x400] =	vst v21  }
0x100: {  	v4 =	vmul.f32 v29, v8;
	v56 =	vmul.f32 v19, v0;
	v3 =	vadd.f32 v3, v53;
	[tilespmem:s21+$0x450] =	vst v54  }
0x101: {  	v6 =	vmul.f32 v34, v0;
	v58 =	vmul.f32 v42, v8;
	v5 =	vsub.f32 v55, v5;
	[tilespmem:s21+$0x10] =	vst v2  }
0x102: {  	v59 =	vmul.f32 v39, v0;
	v60 =	vmul.f32 v37, v8;
	v1 =	vsub.f32 v1, v4;
	[tilespmem:s21+$0x440] =	vst v3  }
0x103: {  	v0 =	vmul.f32 v35, v0;
	v62 =	vmul.f32 v7, v8;
	v61 =	vsub.f32 v6, v58;
	[tilespmem:s21+$0x30] =	vst v5  }
0x104: {  	v63 =	vsub.f32 v59, v60;
	[tilespmem:s21+$0x20] =	vst v1  }
0x105: {  	v57 =	vmul.f32 v22, v8;
	v0 =	vadd.f32 v0, v62;
	[tilespmem:s21+$0x0] =	vst v61  }
0x106: {  	v14 =	vadd.f32 v50, v49;
	[tilespmem:s21+$0x60] =	vst v63  }
0x107: {  	v2 =	vsub.f32 v56, v57;
	[tilespmem:s21+$0x470] =	vst v0  }
0x108: {  	[tilespmem:s21+$0x420] =	vst v14  }
.Ltmp6:
0x109: {  	[tilespmem:s21+$0x50] =	vst v2;
	(pc) =	sbr.rel .LBB2_9-.Ltmp6, $4  }
0x10a: {  	[hbm4b:s19+s13] =	stream.strided.scatter [tilespmem:s1], [sflag:$0x1], $0x4000, s14, s13, $0x38;
	[tilespmem:$0x4180] =	vst v63  }
0x10b: {  	_ =	swait.ge [sflag:s15], $0x4000  }
0x10c: {  	[sflag:s15] =	ssyncset.done $0x0  }
0x10d: {  	[sflag:s15] =	ssyncadd.s32 $0xFFFFC000  }
.LBB2_10:
0x10e: {  	_ =	sfence.sel $0x180000  }
0x10f: {  	[bflag:$0x0] =	sbarrier.arrive $0xFFFF  }
0x110: {  	p0 =	sne.s32 s2, $0x0;
	_ =	strace $0x90000047  }
0x111: {  	s0 =	sadd.s32 @!p0 $0x100000, s0;
	[bflag:$0x2] =	sbarrier.arrive $0xFFFF  }
0x112: {  	[sflag:s0] =	ssyncadd.tile.s32 @!p0 $0x1;
	_ =	shalt  }
.Lfunc_end2:
_tile_overlayer_lowered:
.L_overlay_start_2:
0x113: {  	(tag) =	ssettag $0x2  }
0x114: {  	s0 =	rddreg [dreg:$0x0];
	s2 =	stileid.u32  }
0x115: {  	s1 =	rddreg [dreg:$0x1];
	p0 =	sne.s32 s2, $0x0  }
0x116: {  	s3 =	rddreg [dreg:$0x2];
	[bflag:$0x3] =	sbarrier.arrive $0xFFFF;
	s2 =	simm.s32 @!p0 $0x1C02  }
0x117: {  	[timem:s3], [sflag:s2] =	dma.local @!p0 [hbm:s0], s1  }
0x118: {  	s0 =	simm.s32 @!p0 $0x2  }
0x119: {  	_ =	swait.ge @!p0 [sflag:s0], s1  }
0x11a: {  	s1 =	ssub.s32 @!p0 $0x0, s1;
	[sflag:s0] =	ssyncset.done @!p0 $0x0  }
0x11b: {  	[sflag:s0] =	ssyncadd.s32 @!p0 s1  }
0x11c: {  	[bflag:$0x3] =	sbarrier.arrive $0xFFFF  }
0x11d: {  	_ =	shalt  }

</sc_bundles>
